<compile_context>
chip_gen: v7x
topology: tpu7x:2x2x1
jax: 0.10.2.dev20260603
libtpu: 0.0.44.dev20260713+nightly
codegen_flags: <defaults>
</compile_context>

<pallas_src>
import functools

import jax
import jax.numpy as jnp
from jax import lax
from jax.experimental import pallas as pl
from jax.experimental.pallas import tpu as pltpu
from jax.experimental.pallas import tpu_sc as plsc

VOCAB = 1000
BATCH = 4096
SEQ = 50

_info = plsc.get_sparse_core_info()
NC = _info.num_cores
NS = _info.num_subcores
NW = NC * NS
BG = BATCH // NW
W = 200
WP = 200
K = VOCAB // W
NVG = W // 8
N_CHUNKS = SEQ * K
NSEG = VOCAB * K


def _emb_body(tab_hbm, idx_hbm, out_hbm,
              idx_v, si0, si1, segs0, segs1, xb0, xb1,
              g0, g1, w0, w1):
    c = lax.axis_index("c")
    s = lax.axis_index("s")
    wid = s * NC + c

    pltpu.sync_copy(idx_hbm.at[:, wid], idx_v)

    sis = (si0, si1)
    segss = (segs0, segs1)
    xbs = (xb0, xb1)
    gsems = (g0, g1)
    wsems = (w0, w1)

    lane = lax.iota(jnp.int32, 16)
    row_idx = tuple(lane + (g * 16) for g in range(8))

    def fill_seg_idx(i, b):
        ss = i // K
        kk = i % K
        for g in range(8):
            r = idx_v[ss, pl.ds(g * 16, 16)]
            sis[b][pl.ds(g * 16, 16)] = r * K + kk

    def gather_cp(b):
        return pltpu.make_async_copy(tab_hbm.at[sis[b]], segss[b], gsems[b])

    def write_cp(i, b):
        ss = i // K
        kk = i % K
        return pltpu.make_async_copy(
            xbs[b], out_hbm.at[ss, pl.ds(kk * NVG, NVG), wid], wsems[b])

    def transpose(b):
        def vbody(vg, carry):
            for j0 in range(0, 8, 1):
                vals = []
                for j in range(j0, j0 + 1):
                    col = jnp.full((16,), vg * 8 + j, jnp.int32)
                    for g in range(8):
                        vals.append(plsc.load_gather(segss[b],
                                                     [row_idx[g], col]))
                for j in range(j0, j0 + 1):
                    for g in range(8):
                        xbs[b][vg, j, pl.ds(g * 16, 16)] = \
                            vals[(j - j0) * 8 + g]
            return carry
        lax.fori_loop(0, NVG, vbody, 0)

    fill_seg_idx(0, 0)
    gather_cp(0).start()

    def step(jj, carry):
        for u in range(2):
            i = jj * 2 + u
            b = u
            other = 1 - u

            @pl.when(i + 1 < N_CHUNKS)
            def _():
                fill_seg_idx(i + 1, other)
                gather_cp(other).start()

            @pl.when(i >= 2)
            def _():
                write_cp(i - 2, b).wait()
            gather_cp(b).wait()
            transpose(b)
            write_cp(i, b).start()
        return carry

    lax.fori_loop(0, N_CHUNKS // 2, step, 0)
    write_cp(N_CHUNKS - 2, 0).wait()
    write_cp(N_CHUNKS - 1, 1).wait()


@jax.jit
def _embed(idx_t, tab_view):
    mesh = plsc.VectorSubcoreMesh(core_axis_name="c", subcore_axis_name="s")
    fn = pl.kernel(
        _emb_body,
        out_type=jax.ShapeDtypeStruct((SEQ, VOCAB // 8, NW, 8, BG),
                                      jnp.float32),
        mesh=mesh,
        scratch_types=[
            pltpu.VMEM((SEQ, BG), jnp.int32),
            pltpu.VMEM((BG,), jnp.int32),
            pltpu.VMEM((BG,), jnp.int32),
            pltpu.VMEM((BG, WP), jnp.float32),
            pltpu.VMEM((BG, WP), jnp.float32),
            pltpu.VMEM((NVG, 8, BG), jnp.float32),
            pltpu.VMEM((NVG, 8, BG), jnp.float32),
            pltpu.SemaphoreType.DMA,
            pltpu.SemaphoreType.DMA,
            pltpu.SemaphoreType.DMA,
            pltpu.SemaphoreType.DMA,
        ],
        compiler_params=pltpu.CompilerParams(use_tc_tiling_on_sc=False,
                                             needs_layout_passes=False),
    )
    return fn(tab_view, idx_t)


def kernel(inputs, targets, table):
    idx_t = inputs.astype(jnp.int32).T.reshape(SEQ, NW, BG)
    tab_view = table.reshape(NSEG, W)
    x = _embed(idx_t, tab_view)
    return x.transpose(2, 4, 0, 1, 3).reshape(BATCH, SEQ, VOCAB)

# --- scband reference (transcript-rebuilt; emitter-appended) ---
"""Pipeline reference for scband-bifram-language-model-51316269252937 (READ-ONLY COPY).

The authoritative reference and input builder live on the scoring server;
editing this copy changes nothing except your own understanding.
"""

import jax, jax.numpy as jnp
import numpy as np

VOCAB = 1000
BATCH = 4096
SEQ = 50

def setup_inputs(seed: int = 0) -> dict:
    key = jax.random.key(seed)
    k1, k2, k3 = jax.random.split(key, 3)
    inputs = jax.random.randint(k1, (BATCH, SEQ), 0, VOCAB, dtype=jnp.int64 if jax.config.jax_enable_x64 else jnp.int32)
    targets = jax.random.randint(k2, (BATCH, SEQ), 0, VOCAB, dtype=jnp.int64 if jax.config.jax_enable_x64 else jnp.int32)
    # Embedding table: nn.Embedding(vocab_size, vocab_size), default init N(0,1)
    table = jax.random.normal(k3, (VOCAB, VOCAB), dtype=jnp.float32)
    return {"inputs": inputs, "targets": targets, "table": table}

def reference(inputs, targets, table):
    # predictions = self.token_embedding_table(inputs)
    predictions = jnp.take(table, inputs, axis=0)
    return predictions

if __name__ == "__main__":
    import jax
    _d = setup_inputs()
    print(jax.jit(kernel)(*tuple(_d.values())))

</pallas_src>

<mosaic_0001>
#map = affine_map<(d0, d1) -> (0, 0)>
#map1 = affine_map<(d0, d1) -> (0, 0, 0)>
#map2 = affine_map<(d0, d1) -> (0, 0, 0, 0, 0)>
module attributes {stable_mosaic.version = 14 : i64} {
  func.func @_emb_body(%arg0: i32, %arg1: i32, %arg2: memref<5000x200xf32, #tpu.memory_space<hbm>>, %arg3: memref<50x32x128xi32, #tpu.memory_space<hbm>>, %arg4: memref<50x125x32x8x128xf32, #tpu.memory_space<hbm>>, %arg5: memref<50x128xi32, #tpu.memory_space<vmem>>, %arg6: memref<128xi32, #tpu.memory_space<vmem>>, %arg7: memref<128xi32, #tpu.memory_space<vmem>>, %arg8: memref<128x200xf32, #tpu.memory_space<vmem>>, %arg9: memref<128x200xf32, #tpu.memory_space<vmem>>, %arg10: memref<25x8x128xf32, #tpu.memory_space<vmem>>, %arg11: memref<25x8x128xf32, #tpu.memory_space<vmem>>, %arg12: memref<!tpu.dma_semaphore, #tpu.memory_space<semaphore_mem>>, %arg13: memref<!tpu.dma_semaphore, #tpu.memory_space<semaphore_mem>>, %arg14: memref<!tpu.dma_semaphore, #tpu.memory_space<semaphore_mem>>, %arg15: memref<!tpu.dma_semaphore, #tpu.memory_space<semaphore_mem>>) attributes {dimension_semantics = [#tpu.dimension_semantics<core_parallel>, #tpu.dimension_semantics<subcore_parallel>], iteration_bounds = array<i64: 2, 16>, scalar_prefetch = 0 : i64, scratch_operands = 11 : i64, tpu.core_type = #tpu.core_type<sc_vector_subcore>, window_params = [{transform_indices = #map}, {transform_indices = #map1}, {transform_indices = #map2}]} {
    %mul3A = arith.constant 2 : i32
    %mul3A_0 = arith.muli %arg1, %mul3A : i32
    %add3A = arith.addi %mul3A_0, %arg0 : i32
    "tpu.region"() ({
      %run_scoped3A = tpu.sem_alloc : memref<!tpu.dma_semaphore, #tpu.memory_space<semaphore_mem>>
      %dma_start3A_147 = arith.constant 0 : i32
      %dma_start3A_148 = arith.constant 0 : i32
      %dma_start3A_149 = tpu.memref_slice %arg3[%dma_start3A_147, %add3A, %dma_start3A_148] : memref<50x32x128xi32, #tpu.memory_space<hbm>> -> memref<50x1x128xi32, #tpu.memory_space<hbm>>
      %dma_start3A_150 = tpu.memref_squeeze %dma_start3A_149 : memref<50x1x128xi32, #tpu.memory_space<hbm>> -> memref<50x128xi32, #tpu.memory_space<hbm>>
      %dma_start3A_151 = arith.constant 0 : i32
      %dma_start3A_152 = arith.constant 0 : i32
      %dma_start3A_153 = tpu.memref_slice %arg3[%dma_start3A_151, %add3A, %dma_start3A_152] : memref<50x32x128xi32, #tpu.memory_space<hbm>> -> memref<50x1x128xi32, #tpu.memory_space<hbm>>
      %dma_start3A_154 = tpu.memref_squeeze %dma_start3A_153 : memref<50x1x128xi32, #tpu.memory_space<hbm>> -> memref<50x128xi32, #tpu.memory_space<hbm>>
      tpu.enqueue_dma source(%dma_start3A_154 : memref<50x128xi32, #tpu.memory_space<hbm>>) target(%arg5 : memref<50x128xi32, #tpu.memory_space<vmem>>) target_semaphore(%run_scoped3A : memref<!tpu.dma_semaphore, #tpu.memory_space<semaphore_mem>>)
      %dma_wait3A_155 = arith.constant 0 : i32
      %dma_wait3A_156 = arith.constant 0 : i32
      %dma_wait3A_157 = tpu.memref_slice %arg3[%dma_wait3A_155, %add3A, %dma_wait3A_156] : memref<50x32x128xi32, #tpu.memory_space<hbm>> -> memref<50x1x128xi32, #tpu.memory_space<hbm>>
      %dma_wait3A_158 = tpu.memref_squeeze %dma_wait3A_157 : memref<50x1x128xi32, #tpu.memory_space<hbm>> -> memref<50x128xi32, #tpu.memory_space<hbm>>
      %dma_wait3A_159 = arith.constant 0 : i32
      %dma_wait3A_160 = arith.constant 0 : i32
      %dma_wait3A_161 = tpu.memref_slice %arg3[%dma_wait3A_159, %add3A, %dma_wait3A_160] : memref<50x32x128xi32, #tpu.memory_space<hbm>> -> memref<50x1x128xi32, #tpu.memory_space<hbm>>
      %dma_wait3A_162 = tpu.memref_squeeze %dma_wait3A_161 : memref<50x1x128xi32, #tpu.memory_space<hbm>> -> memref<50x128xi32, #tpu.memory_space<hbm>>
      tpu.wait_dma2 semaphore(%run_scoped3A : memref<!tpu.dma_semaphore, #tpu.memory_space<semaphore_mem>>) src(%dma_wait3A_162 : memref<50x128xi32, #tpu.memory_space<hbm>>) dst(%arg5 : memref<50x128xi32, #tpu.memory_space<vmem>>)
      tpu.yield
    }) : () -> ()
    %iota3A = tpu.iota {dimensions = array<i32: 0>} : vector<16xi32>
    %add3A_1 = arith.constant 0 : i32
    %add3A_2 = vector.broadcast %add3A_1 : i32 to vector<16xi32>
    %add3A_3 = arith.addi %iota3A, %add3A_2 : vector<16xi32>
    %add3A_4 = arith.constant 16 : i32
    %add3A_5 = vector.broadcast %add3A_4 : i32 to vector<16xi32>
    %add3A_6 = arith.addi %iota3A, %add3A_5 : vector<16xi32>
    %add3A_7 = arith.constant 32 : i32
    %add3A_8 = vector.broadcast %add3A_7 : i32 to vector<16xi32>
    %add3A_9 = arith.addi %iota3A, %add3A_8 : vector<16xi32>
    %add3A_10 = arith.constant 48 : i32
    %add3A_11 = vector.broadcast %add3A_10 : i32 to vector<16xi32>
    %add3A_12 = arith.addi %iota3A, %add3A_11 : vector<16xi32>
    %add3A_13 = arith.constant 64 : i32
    %add3A_14 = vector.broadcast %add3A_13 : i32 to vector<16xi32>
    %add3A_15 = arith.addi %iota3A, %add3A_14 : vector<16xi32>
    %add3A_16 = arith.constant 80 : i32
    %add3A_17 = vector.broadcast %add3A_16 : i32 to vector<16xi32>
    %add3A_18 = arith.addi %iota3A, %add3A_17 : vector<16xi32>
    %add3A_19 = arith.constant 96 : i32
    %add3A_20 = vector.broadcast %add3A_19 : i32 to vector<16xi32>
    %add3A_21 = arith.addi %iota3A, %add3A_20 : vector<16xi32>
    %add3A_22 = arith.constant 112 : i32
    %add3A_23 = vector.broadcast %add3A_22 : i32 to vector<16xi32>
    %add3A_24 = arith.addi %iota3A, %add3A_23 : vector<16xi32>
    %get3A = arith.constant 0 : i32
    %get3A_25 = arith.index_cast %get3A : i32 to index
    %get3A_26 = arith.constant 0 : index
    %get3A_27 = tpu.vector_load %arg5[%get3A_25, %get3A_26] {strides = array<i32>} : memref<50x128xi32, #tpu.memory_space<vmem>>, vector<16xi32>,
    %mul3A_28 = arith.constant 5 : i32
    %mul3A_29 = vector.broadcast %mul3A_28 : i32 to vector<16xi32>
    %mul3A_30 = arith.muli %get3A_27, %mul3A_29 : vector<16xi32>
    %add3A_31 = arith.constant 0 : i32
    %add3A_32 = vector.broadcast %add3A_31 : i32 to vector<16xi32>
    %add3A_33 = arith.addi %mul3A_30, %add3A_32 : vector<16xi32>
    %swap3A = arith.constant 0 : index
    %swap3A_34 = tpu.vector_load %arg6[%swap3A] {strides = array<i32>} : memref<128xi32, #tpu.memory_space<vmem>>, vector<16xi32>,
    tpu.vector_store %arg6[%swap3A], %add3A_33 {strides = array<i32>} : memref<128xi32, #tpu.memory_space<vmem>>, vector<16xi32>,
    %get3A_35 = arith.constant 0 : i32
    %get3A_36 = arith.index_cast %get3A_35 : i32 to index
    %get3A_37 = arith.constant 16 : index
    %get3A_38 = tpu.vector_load %arg5[%get3A_36, %get3A_37] {strides = array<i32>} : memref<50x128xi32, #tpu.memory_space<vmem>>, vector<16xi32>,
    %mul3A_39 = arith.constant 5 : i32
    %mul3A_40 = vector.broadcast %mul3A_39 : i32 to vector<16xi32>
    %mul3A_41 = arith.muli %get3A_38, %mul3A_40 : vector<16xi32>
    %add3A_42 = arith.constant 0 : i32
    %add3A_43 = vector.broadcast %add3A_42 : i32 to vector<16xi32>
    %add3A_44 = arith.addi %mul3A_41, %add3A_43 : vector<16xi32>
    %swap3A_45 = arith.constant 16 : index
    %swap3A_46 = tpu.vector_load %arg6[%swap3A_45] {strides = array<i32>} : memref<128xi32, #tpu.memory_space<vmem>>, vector<16xi32>,
    tpu.vector_store %arg6[%swap3A_45], %add3A_44 {strides = array<i32>} : memref<128xi32, #tpu.memory_space<vmem>>, vector<16xi32>,
    %get3A_47 = arith.constant 0 : i32
    %get3A_48 = arith.index_cast %get3A_47 : i32 to index
    %get3A_49 = arith.constant 32 : index
    %get3A_50 = tpu.vector_load %arg5[%get3A_48, %get3A_49] {strides = array<i32>} : memref<50x128xi32, #tpu.memory_space<vmem>>, vector<16xi32>,
    %mul3A_51 = arith.constant 5 : i32
    %mul3A_52 = vector.broadcast %mul3A_51 : i32 to vector<16xi32>
    %mul3A_53 = arith.muli %get3A_50, %mul3A_52 : vector<16xi32>
    %add3A_54 = arith.constant 0 : i32
    %add3A_55 = vector.broadcast %add3A_54 : i32 to vector<16xi32>
    %add3A_56 = arith.addi %mul3A_53, %add3A_55 : vector<16xi32>
    %swap3A_57 = arith.constant 32 : index
    %swap3A_58 = tpu.vector_load %arg6[%swap3A_57] {strides = array<i32>} : memref<128xi32, #tpu.memory_space<vmem>>, vector<16xi32>,
    tpu.vector_store %arg6[%swap3A_57], %add3A_56 {strides = array<i32>} : memref<128xi32, #tpu.memory_space<vmem>>, vector<16xi32>,
    %get3A_59 = arith.constant 0 : i32
    %get3A_60 = arith.index_cast %get3A_59 : i32 to index
    %get3A_61 = arith.constant 48 : index
    %get3A_62 = tpu.vector_load %arg5[%get3A_60, %get3A_61] {strides = array<i32>} : memref<50x128xi32, #tpu.memory_space<vmem>>, vector<16xi32>,
    %mul3A_63 = arith.constant 5 : i32
    %mul3A_64 = vector.broadcast %mul3A_63 : i32 to vector<16xi32>
    %mul3A_65 = arith.muli %get3A_62, %mul3A_64 : vector<16xi32>
    %add3A_66 = arith.constant 0 : i32
    %add3A_67 = vector.broadcast %add3A_66 : i32 to vector<16xi32>
    %add3A_68 = arith.addi %mul3A_65, %add3A_67 : vector<16xi32>
    %swap3A_69 = arith.constant 48 : index
    %swap3A_70 = tpu.vector_load %arg6[%swap3A_69] {strides = array<i32>} : memref<128xi32, #tpu.memory_space<vmem>>, vector<16xi32>,
    tpu.vector_store %arg6[%swap3A_69], %add3A_68 {strides = array<i32>} : memref<128xi32, #tpu.memory_space<vmem>>, vector<16xi32>,
    %get3A_71 = arith.constant 0 : i32
    %get3A_72 = arith.index_cast %get3A_71 : i32 to index
    %get3A_73 = arith.constant 64 : index
    %get3A_74 = tpu.vector_load %arg5[%get3A_72, %get3A_73] {strides = array<i32>} : memref<50x128xi32, #tpu.memory_space<vmem>>, vector<16xi32>,
    %mul3A_75 = arith.constant 5 : i32
    %mul3A_76 = vector.broadcast %mul3A_75 : i32 to vector<16xi32>
    %mul3A_77 = arith.muli %get3A_74, %mul3A_76 : vector<16xi32>
    %add3A_78 = arith.constant 0 : i32
    %add3A_79 = vector.broadcast %add3A_78 : i32 to vector<16xi32>
    %add3A_80 = arith.addi %mul3A_77, %add3A_79 : vector<16xi32>
    %swap3A_81 = arith.constant 64 : index
    %swap3A_82 = tpu.vector_load %arg6[%swap3A_81] {strides = array<i32>} : memref<128xi32, #tpu.memory_space<vmem>>, vector<16xi32>,
    tpu.vector_store %arg6[%swap3A_81], %add3A_80 {strides = array<i32>} : memref<128xi32, #tpu.memory_space<vmem>>, vector<16xi32>,
    %get3A_83 = arith.constant 0 : i32
    %get3A_84 = arith.index_cast %get3A_83 : i32 to index
    %get3A_85 = arith.constant 80 : index
    %get3A_86 = tpu.vector_load %arg5[%get3A_84, %get3A_85] {strides = array<i32>} : memref<50x128xi32, #tpu.memory_space<vmem>>, vector<16xi32>,
    %mul3A_87 = arith.constant 5 : i32
    %mul3A_88 = vector.broadcast %mul3A_87 : i32 to vector<16xi32>
    %mul3A_89 = arith.muli %get3A_86, %mul3A_88 : vector<16xi32>
    %add3A_90 = arith.constant 0 : i32
    %add3A_91 = vector.broadcast %add3A_90 : i32 to vector<16xi32>
    %add3A_92 = arith.addi %mul3A_89, %add3A_91 : vector<16xi32>
    %swap3A_93 = arith.constant 80 : index
    %swap3A_94 = tpu.vector_load %arg6[%swap3A_93] {strides = array<i32>} : memref<128xi32, #tpu.memory_space<vmem>>, vector<16xi32>,
    tpu.vector_store %arg6[%swap3A_93], %add3A_92 {strides = array<i32>} : memref<128xi32, #tpu.memory_space<vmem>>, vector<16xi32>,
    %get3A_95 = arith.constant 0 : i32
    %get3A_96 = arith.index_cast %get3A_95 : i32 to index
    %get3A_97 = arith.constant 96 : index
    %get3A_98 = tpu.vector_load %arg5[%get3A_96, %get3A_97] {strides = array<i32>} : memref<50x128xi32, #tpu.memory_space<vmem>>, vector<16xi32>,
    %mul3A_99 = arith.constant 5 : i32
    %mul3A_100 = vector.broadcast %mul3A_99 : i32 to vector<16xi32>
    %mul3A_101 = arith.muli %get3A_98, %mul3A_100 : vector<16xi32>
    %add3A_102 = arith.constant 0 : i32
    %add3A_103 = vector.broadcast %add3A_102 : i32 to vector<16xi32>
    %add3A_104 = arith.addi %mul3A_101, %add3A_103 : vector<16xi32>
    %swap3A_105 = arith.constant 96 : index
    %swap3A_106 = tpu.vector_load %arg6[%swap3A_105] {strides = array<i32>} : memref<128xi32, #tpu.memory_space<vmem>>, vector<16xi32>,
    tpu.vector_store %arg6[%swap3A_105], %add3A_104 {strides = array<i32>} : memref<128xi32, #tpu.memory_space<vmem>>, vector<16xi32>,
    %get3A_107 = arith.constant 0 : i32
    %get3A_108 = arith.index_cast %get3A_107 : i32 to index
    %get3A_109 = arith.constant 112 : index
    %get3A_110 = tpu.vector_load %arg5[%get3A_108, %get3A_109] {strides = array<i32>} : memref<50x128xi32, #tpu.memory_space<vmem>>, vector<16xi32>,
    %mul3A_111 = arith.constant 5 : i32
    %mul3A_112 = vector.broadcast %mul3A_111 : i32 to vector<16xi32>
    %mul3A_113 = arith.muli %get3A_110, %mul3A_112 : vector<16xi32>
    %add3A_114 = arith.constant 0 : i32
    %add3A_115 = vector.broadcast %add3A_114 : i32 to vector<16xi32>
    %add3A_116 = arith.addi %mul3A_113, %add3A_115 : vector<16xi32>
    %swap3A_117 = arith.constant 112 : index
    %swap3A_118 = tpu.vector_load %arg6[%swap3A_117] {strides = array<i32>} : memref<128xi32, #tpu.memory_space<vmem>>, vector<16xi32>,
    tpu.vector_store %arg6[%swap3A_117], %add3A_116 {strides = array<i32>} : memref<128xi32, #tpu.memory_space<vmem>>, vector<16xi32>,
    %dma_start3A = arith.constant 0 : i32
    %dma_start3A_119 = arith.constant 0 : i32
    %dma_start3A_120 = tpu.memref_slice %arg2[%dma_start3A, %dma_start3A_119] : memref<5000x200xf32, #tpu.memory_space<hbm>> -> memref<5000x200xf32, #tpu.memory_space<hbm>>
    tpu.enqueue_indirect_dma source(%dma_start3A_120 : memref<5000x200xf32, #tpu.memory_space<hbm>>) target(%arg8 : memref<128x200xf32, #tpu.memory_space<vmem>>) offsets(%arg6 : memref<128xi32, #tpu.memory_space<vmem>>) semaphore(%arg12 : memref<!tpu.dma_semaphore, #tpu.memory_space<semaphore_mem>>)
    %scan3A = arith.constant 0 : i32
    %scan3A_121 = arith.constant 0 : i32
    %scan3A_122 = arith.constant 125 : i32
    %scan3A_123 = arith.addi %scan3A_121, %scan3A_122 : i32
    %scan3A_124 = arith.constant 1 : i32
    scf.for %scan3A_147 = %scan3A_121 to %scan3A_123 step %scan3A_124  : i32 {
      %mul3A_148 = arith.constant 2 : i32
      %mul3A_149 = arith.muli %scan3A_147, %mul3A_148 : i32
      %add3A_150 = arith.constant 0 : i32
      %add3A_151 = arith.addi %mul3A_149, %add3A_150 : i32
      %add3A_152 = arith.constant 1 : i32
      %add3A_153 = arith.addi %add3A_151, %add3A_152 : i32
      %lt3A = arith.constant 250 : i32
      %lt3A_154 = arith.cmpi slt, %add3A_153, %lt3A : i32
      %convert_element_type3A = arith.extui %lt3A_154 : i1 to i32
      %cond3A = arith.constant 0 : i32
      %cond3A_155 = arith.cmpi ne, %convert_element_type3A, %cond3A : i32
      scf.if %cond3A_155 {
        %add3A_285 = arith.constant 1 : i32
        %add3A_286 = arith.addi %add3A_151, %add3A_285 : i32
        %jit3A_287 = arith.constant 5 : i32
        %div3A_288 = arith.divsi %add3A_286, %jit3A_287 : i32
        %sign3A_289 = arith.constant 0 : i32
        %sign3A_290 = arith.cmpi sgt, %add3A_286, %sign3A_289 : i32
        %sign3A_291 = arith.extui %sign3A_290 : i1 to i32
        %sign3A_292 = arith.constant 0 : i32
        %sign3A_293 = arith.cmpi slt, %add3A_286, %sign3A_292 : i32
        %sign3A_294 = arith.extui %sign3A_293 : i1 to i32
        %sign3A_295 = arith.subi %sign3A_291, %sign3A_294 : i32
        %sign3A_296 = arith.constant 0 : i32
        %sign3A_297 = arith.cmpi sgt, %jit3A_287, %sign3A_296 : i32
        %sign3A_298 = arith.extui %sign3A_297 : i1 to i32
        %sign3A_299 = arith.constant 0 : i32
        %sign3A_300 = arith.cmpi slt, %jit3A_287, %sign3A_299 : i32
        %sign3A_301 = arith.extui %sign3A_300 : i1 to i32
        %sign3A_302 = arith.subi %sign3A_298, %sign3A_301 : i32
        %ne3A_303 = arith.cmpi ne, %sign3A_295, %sign3A_302 : i32
        %rem3A_304 = arith.remsi %add3A_286, %jit3A_287 : i32
        %ne3A_305 = arith.constant 0 : i32
        %ne3A_306 = arith.cmpi ne, %rem3A_304, %ne3A_305 : i32
        %and3A_307 = arith.andi %ne3A_303, %ne3A_306 : i1
        %sub3A_308 = arith.constant 1 : i32
        %sub3A_309 = arith.subi %div3A_288, %sub3A_308 : i32
        %select_n3A_310 = arith.select %and3A_307, %sub3A_309, %div3A_288 : i32
        %jit3A_311 = arith.constant 5 : i32
        %eq3A_312 = arith.constant 0 : i32
        %eq3A_313 = arith.cmpi eq, %jit3A_311, %eq3A_312 : i32
        %jit3A_314 = arith.constant 1 : i32
        %select_n3A_315 = arith.select %eq3A_313, %jit3A_314, %jit3A_311 : i32
        %rem3A_316 = arith.remsi %add3A_286, %select_n3A_315 : i32
        %ne3A_317 = arith.constant 0 : i32
        %ne3A_318 = arith.cmpi ne, %rem3A_316, %ne3A_317 : i32
        %lt3A_319 = arith.constant 0 : i32
        %lt3A_320 = arith.cmpi slt, %rem3A_316, %lt3A_319 : i32
        %lt3A_321 = arith.constant 0 : i32
        %lt3A_322 = arith.cmpi slt, %select_n3A_315, %lt3A_321 : i32
        %ne3A_323 = arith.xori %lt3A_320, %lt3A_322 : i1
        %and3A_324 = arith.andi %ne3A_323, %ne3A_318 : i1
        %add3A_325 = arith.addi %rem3A_316, %select_n3A_315 : i32
        %select_n3A_326 = arith.select %and3A_324, %add3A_325, %rem3A_316 : i32
        %get3A_327 = arith.index_cast %select_n3A_310 : i32 to index
        %get3A_328 = arith.constant 0 : index
        %get3A_329 = tpu.vector_load %arg5[%get3A_327, %get3A_328] {strides = array<i32>} : memref<50x128xi32, #tpu.memory_space<vmem>>, vector<16xi32>,
        %mul3A_330 = arith.constant 5 : i32
        %mul3A_331 = vector.broadcast %mul3A_330 : i32 to vector<16xi32>
        %mul3A_332 = arith.muli %get3A_329, %mul3A_331 : vector<16xi32>
        %add3A_333 = vector.broadcast %select_n3A_326 : i32 to vector<16xi32>
        %add3A_334 = arith.addi %mul3A_332, %add3A_333 : vector<16xi32>
        %swap3A_335 = arith.constant 0 : index
        %swap3A_336 = tpu.vector_load %arg7[%swap3A_335] {strides = array<i32>} : memref<128xi32, #tpu.memory_space<vmem>>, vector<16xi32>,
        tpu.vector_store %arg7[%swap3A_335], %add3A_334 {strides = array<i32>} : memref<128xi32, #tpu.memory_space<vmem>>, vector<16xi32>,
        %get3A_337 = arith.index_cast %select_n3A_310 : i32 to index
        %get3A_338 = arith.constant 16 : index
        %get3A_339 = tpu.vector_load %arg5[%get3A_337, %get3A_338] {strides = array<i32>} : memref<50x128xi32, #tpu.memory_space<vmem>>, vector<16xi32>,
        %mul3A_340 = arith.constant 5 : i32
        %mul3A_341 = vector.broadcast %mul3A_340 : i32 to vector<16xi32>
        %mul3A_342 = arith.muli %get3A_339, %mul3A_341 : vector<16xi32>
        %add3A_343 = vector.broadcast %select_n3A_326 : i32 to vector<16xi32>
        %add3A_344 = arith.addi %mul3A_342, %add3A_343 : vector<16xi32>
        %swap3A_345 = arith.constant 16 : index
        %swap3A_346 = tpu.vector_load %arg7[%swap3A_345] {strides = array<i32>} : memref<128xi32, #tpu.memory_space<vmem>>, vector<16xi32>,
        tpu.vector_store %arg7[%swap3A_345], %add3A_344 {strides = array<i32>} : memref<128xi32, #tpu.memory_space<vmem>>, vector<16xi32>,
        %get3A_347 = arith.index_cast %select_n3A_310 : i32 to index
        %get3A_348 = arith.constant 32 : index
        %get3A_349 = tpu.vector_load %arg5[%get3A_347, %get3A_348] {strides = array<i32>} : memref<50x128xi32, #tpu.memory_space<vmem>>, vector<16xi32>,
        %mul3A_350 = arith.constant 5 : i32
        %mul3A_351 = vector.broadcast %mul3A_350 : i32 to vector<16xi32>
        %mul3A_352 = arith.muli %get3A_349, %mul3A_351 : vector<16xi32>
        %add3A_353 = vector.broadcast %select_n3A_326 : i32 to vector<16xi32>
        %add3A_354 = arith.addi %mul3A_352, %add3A_353 : vector<16xi32>
        %swap3A_355 = arith.constant 32 : index
        %swap3A_356 = tpu.vector_load %arg7[%swap3A_355] {strides = array<i32>} : memref<128xi32, #tpu.memory_space<vmem>>, vector<16xi32>,
        tpu.vector_store %arg7[%swap3A_355], %add3A_354 {strides = array<i32>} : memref<128xi32, #tpu.memory_space<vmem>>, vector<16xi32>,
        %get3A_357 = arith.index_cast %select_n3A_310 : i32 to index
        %get3A_358 = arith.constant 48 : index
        %get3A_359 = tpu.vector_load %arg5[%get3A_357, %get3A_358] {strides = array<i32>} : memref<50x128xi32, #tpu.memory_space<vmem>>, vector<16xi32>,
        %mul3A_360 = arith.constant 5 : i32
        %mul3A_361 = vector.broadcast %mul3A_360 : i32 to vector<16xi32>
        %mul3A_362 = arith.muli %get3A_359, %mul3A_361 : vector<16xi32>
        %add3A_363 = vector.broadcast %select_n3A_326 : i32 to vector<16xi32>
        %add3A_364 = arith.addi %mul3A_362, %add3A_363 : vector<16xi32>
        %swap3A_365 = arith.constant 48 : index
        %swap3A_366 = tpu.vector_load %arg7[%swap3A_365] {strides = array<i32>} : memref<128xi32, #tpu.memory_space<vmem>>, vector<16xi32>,
        tpu.vector_store %arg7[%swap3A_365], %add3A_364 {strides = array<i32>} : memref<128xi32, #tpu.memory_space<vmem>>, vector<16xi32>,
        %get3A_367 = arith.index_cast %select_n3A_310 : i32 to index
        %get3A_368 = arith.constant 64 : index
        %get3A_369 = tpu.vector_load %arg5[%get3A_367, %get3A_368] {strides = array<i32>} : memref<50x128xi32, #tpu.memory_space<vmem>>, vector<16xi32>,
        %mul3A_370 = arith.constant 5 : i32
        %mul3A_371 = vector.broadcast %mul3A_370 : i32 to vector<16xi32>
        %mul3A_372 = arith.muli %get3A_369, %mul3A_371 : vector<16xi32>
        %add3A_373 = vector.broadcast %select_n3A_326 : i32 to vector<16xi32>
        %add3A_374 = arith.addi %mul3A_372, %add3A_373 : vector<16xi32>
        %swap3A_375 = arith.constant 64 : index
        %swap3A_376 = tpu.vector_load %arg7[%swap3A_375] {strides = array<i32>} : memref<128xi32, #tpu.memory_space<vmem>>, vector<16xi32>,
        tpu.vector_store %arg7[%swap3A_375], %add3A_374 {strides = array<i32>} : memref<128xi32, #tpu.memory_space<vmem>>, vector<16xi32>,
        %get3A_377 = arith.index_cast %select_n3A_310 : i32 to index
        %get3A_378 = arith.constant 80 : index
        %get3A_379 = tpu.vector_load %arg5[%get3A_377, %get3A_378] {strides = array<i32>} : memref<50x128xi32, #tpu.memory_space<vmem>>, vector<16xi32>,
        %mul3A_380 = arith.constant 5 : i32
        %mul3A_381 = vector.broadcast %mul3A_380 : i32 to vector<16xi32>
        %mul3A_382 = arith.muli %get3A_379, %mul3A_381 : vector<16xi32>
        %add3A_383 = vector.broadcast %select_n3A_326 : i32 to vector<16xi32>
        %add3A_384 = arith.addi %mul3A_382, %add3A_383 : vector<16xi32>
        %swap3A_385 = arith.constant 80 : index
        %swap3A_386 = tpu.vector_load %arg7[%swap3A_385] {strides = array<i32>} : memref<128xi32, #tpu.memory_space<vmem>>, vector<16xi32>,
        tpu.vector_store %arg7[%swap3A_385], %add3A_384 {strides = array<i32>} : memref<128xi32, #tpu.memory_space<vmem>>, vector<16xi32>,
        %get3A_387 = arith.index_cast %select_n3A_310 : i32 to index
        %get3A_388 = arith.constant 96 : index
        %get3A_389 = tpu.vector_load %arg5[%get3A_387, %get3A_388] {strides = array<i32>} : memref<50x128xi32, #tpu.memory_space<vmem>>, vector<16xi32>,
        %mul3A_390 = arith.constant 5 : i32
        %mul3A_391 = vector.broadcast %mul3A_390 : i32 to vector<16xi32>
        %mul3A_392 = arith.muli %get3A_389, %mul3A_391 : vector<16xi32>
        %add3A_393 = vector.broadcast %select_n3A_326 : i32 to vector<16xi32>
        %add3A_394 = arith.addi %mul3A_392, %add3A_393 : vector<16xi32>
        %swap3A_395 = arith.constant 96 : index
        %swap3A_396 = tpu.vector_load %arg7[%swap3A_395] {strides = array<i32>} : memref<128xi32, #tpu.memory_space<vmem>>, vector<16xi32>,
        tpu.vector_store %arg7[%swap3A_395], %add3A_394 {strides = array<i32>} : memref<128xi32, #tpu.memory_space<vmem>>, vector<16xi32>,
        %get3A_397 = arith.index_cast %select_n3A_310 : i32 to index
        %get3A_398 = arith.constant 112 : index
        %get3A_399 = tpu.vector_load %arg5[%get3A_397, %get3A_398] {strides = array<i32>} : memref<50x128xi32, #tpu.memory_space<vmem>>, vector<16xi32>,
        %mul3A_400 = arith.constant 5 : i32
        %mul3A_401 = vector.broadcast %mul3A_400 : i32 to vector<16xi32>
        %mul3A_402 = arith.muli %get3A_399, %mul3A_401 : vector<16xi32>
        %add3A_403 = vector.broadcast %select_n3A_326 : i32 to vector<16xi32>
        %add3A_404 = arith.addi %mul3A_402, %add3A_403 : vector<16xi32>
        %swap3A_405 = arith.constant 112 : index
        %swap3A_406 = tpu.vector_load %arg7[%swap3A_405] {strides = array<i32>} : memref<128xi32, #tpu.memory_space<vmem>>, vector<16xi32>,
        tpu.vector_store %arg7[%swap3A_405], %add3A_404 {strides = array<i32>} : memref<128xi32, #tpu.memory_space<vmem>>, vector<16xi32>,
        %dma_start3A_407 = arith.constant 0 : i32
        %dma_start3A_408 = arith.constant 0 : i32
        %dma_start3A_409 = tpu.memref_slice %arg2[%dma_start3A_407, %dma_start3A_408] : memref<5000x200xf32, #tpu.memory_space<hbm>> -> memref<5000x200xf32, #tpu.memory_space<hbm>>
        tpu.enqueue_indirect_dma source(%dma_start3A_409 : memref<5000x200xf32, #tpu.memory_space<hbm>>) target(%arg9 : memref<128x200xf32, #tpu.memory_space<vmem>>) offsets(%arg7 : memref<128xi32, #tpu.memory_space<vmem>>) semaphore(%arg13 : memref<!tpu.dma_semaphore, #tpu.memory_space<semaphore_mem>>)
      } else {
      }
      %ge3A = arith.constant 2 : i32
      %ge3A_156 = arith.cmpi sge, %add3A_151, %ge3A : i32
      %convert_element_type3A_157 = arith.extui %ge3A_156 : i1 to i32
      %cond3A_158 = arith.constant 0 : i32
      %cond3A_159 = arith.cmpi ne, %convert_element_type3A_157, %cond3A_158 : i32
      scf.if %cond3A_159 {
        %sub3A_285 = arith.constant 2 : i32
        %sub3A_286 = arith.subi %add3A_151, %sub3A_285 : i32
        %jit3A_287 = arith.constant 5 : i32
        %div3A_288 = arith.divsi %sub3A_286, %jit3A_287 : i32
        %sign3A_289 = arith.constant 0 : i32
        %sign3A_290 = arith.cmpi sgt, %sub3A_286, %sign3A_289 : i32
        %sign3A_291 = arith.extui %sign3A_290 : i1 to i32
        %sign3A_292 = arith.constant 0 : i32
        %sign3A_293 = arith.cmpi slt, %sub3A_286, %sign3A_292 : i32
        %sign3A_294 = arith.extui %sign3A_293 : i1 to i32
        %sign3A_295 = arith.subi %sign3A_291, %sign3A_294 : i32
        %sign3A_296 = arith.constant 0 : i32
        %sign3A_297 = arith.cmpi sgt, %jit3A_287, %sign3A_296 : i32
        %sign3A_298 = arith.extui %sign3A_297 : i1 to i32
        %sign3A_299 = arith.constant 0 : i32
        %sign3A_300 = arith.cmpi slt, %jit3A_287, %sign3A_299 : i32
        %sign3A_301 = arith.extui %sign3A_300 : i1 to i32
        %sign3A_302 = arith.subi %sign3A_298, %sign3A_301 : i32
        %ne3A_303 = arith.cmpi ne, %sign3A_295, %sign3A_302 : i32
        %rem3A_304 = arith.remsi %sub3A_286, %jit3A_287 : i32
        %ne3A_305 = arith.constant 0 : i32
        %ne3A_306 = arith.cmpi ne, %rem3A_304, %ne3A_305 : i32
        %and3A_307 = arith.andi %ne3A_303, %ne3A_306 : i1
        %sub3A_308 = arith.constant 1 : i32
        %sub3A_309 = arith.subi %div3A_288, %sub3A_308 : i32
        %select_n3A_310 = arith.select %and3A_307, %sub3A_309, %div3A_288 : i32
        %jit3A_311 = arith.constant 5 : i32
        %eq3A_312 = arith.constant 0 : i32
        %eq3A_313 = arith.cmpi eq, %jit3A_311, %eq3A_312 : i32
        %jit3A_314 = arith.constant 1 : i32
        %select_n3A_315 = arith.select %eq3A_313, %jit3A_314, %jit3A_311 : i32
        %rem3A_316 = arith.remsi %sub3A_286, %select_n3A_315 : i32
        %ne3A_317 = arith.constant 0 : i32
        %ne3A_318 = arith.cmpi ne, %rem3A_316, %ne3A_317 : i32
        %lt3A_319 = arith.constant 0 : i32
        %lt3A_320 = arith.cmpi slt, %rem3A_316, %lt3A_319 : i32
        %lt3A_321 = arith.constant 0 : i32
        %lt3A_322 = arith.cmpi slt, %select_n3A_315, %lt3A_321 : i32
        %ne3A_323 = arith.xori %lt3A_320, %lt3A_322 : i1
        %and3A_324 = arith.andi %ne3A_323, %ne3A_318 : i1
        %add3A_325 = arith.addi %rem3A_316, %select_n3A_315 : i32
        %select_n3A_326 = arith.select %and3A_324, %add3A_325, %rem3A_316 : i32
        %mul3A_327 = arith.constant 25 : i32
        %mul3A_328 = arith.muli %select_n3A_326, %mul3A_327 : i32
        %dma_wait3A_329 = arith.constant 0 : i32
        %dma_wait3A_330 = arith.constant 0 : i32
        %dma_wait3A_331 = tpu.memref_slice %arg4[%select_n3A_310, %mul3A_328, %add3A, %dma_wait3A_329, %dma_wait3A_330] : memref<50x125x32x8x128xf32, #tpu.memory_space<hbm>> -> memref<1x25x1x8x128xf32, #tpu.memory_space<hbm>>
        %dma_wait3A_332 = tpu.memref_squeeze %dma_wait3A_331 : memref<1x25x1x8x128xf32, #tpu.memory_space<hbm>> -> memref<25x8x128xf32, #tpu.memory_space<hbm>>
        %dma_wait3A_333 = arith.constant 0 : i32
        %dma_wait3A_334 = arith.constant 0 : i32
        %dma_wait3A_335 = tpu.memref_slice %arg4[%select_n3A_310, %mul3A_328, %add3A, %dma_wait3A_333, %dma_wait3A_334] : memref<50x125x32x8x128xf32, #tpu.memory_space<hbm>> -> memref<1x25x1x8x128xf32, #tpu.memory_space<hbm>>
        %dma_wait3A_336 = tpu.memref_squeeze %dma_wait3A_335 : memref<1x25x1x8x128xf32, #tpu.memory_space<hbm>> -> memref<25x8x128xf32, #tpu.memory_space<hbm>>
        tpu.wait_dma2 semaphore(%arg14 : memref<!tpu.dma_semaphore, #tpu.memory_space<semaphore_mem>>) src(%arg10 : memref<25x8x128xf32, #tpu.memory_space<vmem>>) dst(%dma_wait3A_336 : memref<25x8x128xf32, #tpu.memory_space<hbm>>)
      } else {
      }
      %dma_wait3A_160 = arith.constant 0 : i32
      %dma_wait3A_161 = arith.constant 0 : i32
      %dma_wait3A_162 = tpu.memref_slice %arg2[%dma_wait3A_160, %dma_wait3A_161] : memref<5000x200xf32, #tpu.memory_space<hbm>> -> memref<5000x200xf32, #tpu.memory_space<hbm>>
      tpu.wait_indirect_dma semaphore(%arg12 : memref<!tpu.dma_semaphore, #tpu.memory_space<semaphore_mem>>) src(%dma_wait3A_162 : memref<5000x200xf32, #tpu.memory_space<hbm>>) dst(%arg8 : memref<128x200xf32, #tpu.memory_space<vmem>>)
      %scan3A_163 = arith.constant 0 : i32
      %scan3A_164 = arith.constant 0 : i32
      %scan3A_165 = arith.constant 25 : i32
      %scan3A_166 = arith.addi %scan3A_164, %scan3A_165 : i32
      %scan3A_167 = arith.constant 1 : i32
      scf.for %scan3A_285 = %scan3A_164 to %scan3A_166 step %scan3A_167  : i32 {
        %mul3A_286 = arith.constant 8 : i32
        %mul3A_287 = arith.muli %scan3A_285, %mul3A_286 : i32
        %add3A_288 = arith.constant 0 : i32
        %add3A_289 = arith.addi %mul3A_287, %add3A_288 : i32
        %broadcast_in_dim3A = vector.broadcast %add3A_289 : i32 to vector<16xi32>
        %gather3A = tpu.vector_load_idx %arg8[%add3A_3, %broadcast_in_dim3A] : memref<128x200xf32, #tpu.memory_space<vmem>>[vector<16xi32>, vector<16xi32>], vector<16xf32>,
        %gather3A_290 = tpu.vector_load_idx %arg8[%add3A_6, %broadcast_in_dim3A] : memref<128x200xf32, #tpu.memory_space<vmem>>[vector<16xi32>, vector<16xi32>], vector<16xf32>,
        %gather3A_291 = tpu.vector_load_idx %arg8[%add3A_9, %broadcast_in_dim3A] : memref<128x200xf32, #tpu.memory_space<vmem>>[vector<16xi32>, vector<16xi32>], vector<16xf32>,
        %gather3A_292 = tpu.vector_load_idx %arg8[%add3A_12, %broadcast_in_dim3A] : memref<128x200xf32, #tpu.memory_space<vmem>>[vector<16xi32>, vector<16xi32>], vector<16xf32>,
        %gather3A_293 = tpu.vector_load_idx %arg8[%add3A_15, %broadcast_in_dim3A] : memref<128x200xf32, #tpu.memory_space<vmem>>[vector<16xi32>, vector<16xi32>], vector<16xf32>,
        %gather3A_294 = tpu.vector_load_idx %arg8[%add3A_18, %broadcast_in_dim3A] : memref<128x200xf32, #tpu.memory_space<vmem>>[vector<16xi32>, vector<16xi32>], vector<16xf32>,
        %gather3A_295 = tpu.vector_load_idx %arg8[%add3A_21, %broadcast_in_dim3A] : memref<128x200xf32, #tpu.memory_space<vmem>>[vector<16xi32>, vector<16xi32>], vector<16xf32>,
        %gather3A_296 = tpu.vector_load_idx %arg8[%add3A_24, %broadcast_in_dim3A] : memref<128x200xf32, #tpu.memory_space<vmem>>[vector<16xi32>, vector<16xi32>], vector<16xf32>,
        %swap3A_297 = arith.constant 0 : i32
        %swap3A_298 = arith.index_cast %scan3A_285 : i32 to index
        %swap3A_299 = arith.index_cast %swap3A_297 : i32 to index
        %swap3A_300 = arith.constant 0 : index
        %swap3A_301 = tpu.vector_load %arg10[%swap3A_298, %swap3A_299, %swap3A_300] {strides = array<i32>} : memref<25x8x128xf32, #tpu.memory_space<vmem>>, vector<16xf32>,
        tpu.vector_store %arg10[%swap3A_298, %swap3A_299, %swap3A_300], %gather3A {strides = array<i32>} : memref<25x8x128xf32, #tpu.memory_space<vmem>>, vector<16xf32>,
        %swap3A_302 = arith.constant 0 : i32
        %swap3A_303 = arith.index_cast %scan3A_285 : i32 to index
        %swap3A_304 = arith.index_cast %swap3A_302 : i32 to index
        %swap3A_305 = arith.constant 16 : index
        %swap3A_306 = tpu.vector_load %arg10[%swap3A_303, %swap3A_304, %swap3A_305] {strides = array<i32>} : memref<25x8x128xf32, #tpu.memory_space<vmem>>, vector<16xf32>,
        tpu.vector_store %arg10[%swap3A_303, %swap3A_304, %swap3A_305], %gather3A_290 {strides = array<i32>} : memref<25x8x128xf32, #tpu.memory_space<vmem>>, vector<16xf32>,
        %swap3A_307 = arith.constant 0 : i32
        %swap3A_308 = arith.index_cast %scan3A_285 : i32 to index
        %swap3A_309 = arith.index_cast %swap3A_307 : i32 to index
        %swap3A_310 = arith.constant 32 : index
        %swap3A_311 = tpu.vector_load %arg10[%swap3A_308, %swap3A_309, %swap3A_310] {strides = array<i32>} : memref<25x8x128xf32, #tpu.memory_space<vmem>>, vector<16xf32>,
        tpu.vector_store %arg10[%swap3A_308, %swap3A_309, %swap3A_310], %gather3A_291 {strides = array<i32>} : memref<25x8x128xf32, #tpu.memory_space<vmem>>, vector<16xf32>,
        %swap3A_312 = arith.constant 0 : i32
        %swap3A_313 = arith.index_cast %scan3A_285 : i32 to index
        %swap3A_314 = arith.index_cast %swap3A_312 : i32 to index
        %swap3A_315 = arith.constant 48 : index
        %swap3A_316 = tpu.vector_load %arg10[%swap3A_313, %swap3A_314, %swap3A_315] {strides = array<i32>} : memref<25x8x128xf32, #tpu.memory_space<vmem>>, vector<16xf32>,
        tpu.vector_store %arg10[%swap3A_313, %swap3A_314, %swap3A_315], %gather3A_292 {strides = array<i32>} : memref<25x8x128xf32, #tpu.memory_space<vmem>>, vector<16xf32>,
        %swap3A_317 = arith.constant 0 : i32
        %swap3A_318 = arith.index_cast %scan3A_285 : i32 to index
        %swap3A_319 = arith.index_cast %swap3A_317 : i32 to index
        %swap3A_320 = arith.constant 64 : index
        %swap3A_321 = tpu.vector_load %arg10[%swap3A_318, %swap3A_319, %swap3A_320] {strides = array<i32>} : memref<25x8x128xf32, #tpu.memory_space<vmem>>, vector<16xf32>,
        tpu.vector_store %arg10[%swap3A_318, %swap3A_319, %swap3A_320], %gather3A_293 {strides = array<i32>} : memref<25x8x128xf32, #tpu.memory_space<vmem>>, vector<16xf32>,
        %swap3A_322 = arith.constant 0 : i32
        %swap3A_323 = arith.index_cast %scan3A_285 : i32 to index
        %swap3A_324 = arith.index_cast %swap3A_322 : i32 to index
        %swap3A_325 = arith.constant 80 : index
        %swap3A_326 = tpu.vector_load %arg10[%swap3A_323, %swap3A_324, %swap3A_325] {strides = array<i32>} : memref<25x8x128xf32, #tpu.memory_space<vmem>>, vector<16xf32>,
        tpu.vector_store %arg10[%swap3A_323, %swap3A_324, %swap3A_325], %gather3A_294 {strides = array<i32>} : memref<25x8x128xf32, #tpu.memory_space<vmem>>, vector<16xf32>,
        %swap3A_327 = arith.constant 0 : i32
        %swap3A_328 = arith.index_cast %scan3A_285 : i32 to index
        %swap3A_329 = arith.index_cast %swap3A_327 : i32 to index
        %swap3A_330 = arith.constant 96 : index
        %swap3A_331 = tpu.vector_load %arg10[%swap3A_328, %swap3A_329, %swap3A_330] {strides = array<i32>} : memref<25x8x128xf32, #tpu.memory_space<vmem>>, vector<16xf32>,
        tpu.vector_store %arg10[%swap3A_328, %swap3A_329, %swap3A_330], %gather3A_295 {strides = array<i32>} : memref<25x8x128xf32, #tpu.memory_space<vmem>>, vector<16xf32>,
        %swap3A_332 = arith.constant 0 : i32
        %swap3A_333 = arith.index_cast %scan3A_285 : i32 to index
        %swap3A_334 = arith.index_cast %swap3A_332 : i32 to index
        %swap3A_335 = arith.constant 112 : index
        %swap3A_336 = tpu.vector_load %arg10[%swap3A_333, %swap3A_334, %swap3A_335] {strides = array<i32>} : memref<25x8x128xf32, #tpu.memory_space<vmem>>, vector<16xf32>,
        tpu.vector_store %arg10[%swap3A_333, %swap3A_334, %swap3A_335], %gather3A_296 {strides = array<i32>} : memref<25x8x128xf32, #tpu.memory_space<vmem>>, vector<16xf32>,
        %mul3A_337 = arith.constant 8 : i32
        %mul3A_338 = arith.muli %scan3A_285, %mul3A_337 : i32
        %add3A_339 = arith.constant 1 : i32
        %add3A_340 = arith.addi %mul3A_338, %add3A_339 : i32
        %broadcast_in_dim3A_341 = vector.broadcast %add3A_340 : i32 to vector<16xi32>
        %gather3A_342 = tpu.vector_load_idx %arg8[%add3A_3, %broadcast_in_dim3A_341] : memref<128x200xf32, #tpu.memory_space<vmem>>[vector<16xi32>, vector<16xi32>], vector<16xf32>,
        %gather3A_343 = tpu.vector_load_idx %arg8[%add3A_6, %broadcast_in_dim3A_341] : memref<128x200xf32, #tpu.memory_space<vmem>>[vector<16xi32>, vector<16xi32>], vector<16xf32>,
        %gather3A_344 = tpu.vector_load_idx %arg8[%add3A_9, %broadcast_in_dim3A_341] : memref<128x200xf32, #tpu.memory_space<vmem>>[vector<16xi32>, vector<16xi32>], vector<16xf32>,
        %gather3A_345 = tpu.vector_load_idx %arg8[%add3A_12, %broadcast_in_dim3A_341] : memref<128x200xf32, #tpu.memory_space<vmem>>[vector<16xi32>, vector<16xi32>], vector<16xf32>,
        %gather3A_346 = tpu.vector_load_idx %arg8[%add3A_15, %broadcast_in_dim3A_341] : memref<128x200xf32, #tpu.memory_space<vmem>>[vector<16xi32>, vector<16xi32>], vector<16xf32>,
        %gather3A_347 = tpu.vector_load_idx %arg8[%add3A_18, %broadcast_in_dim3A_341] : memref<128x200xf32, #tpu.memory_space<vmem>>[vector<16xi32>, vector<16xi32>], vector<16xf32>,
        %gather3A_348 = tpu.vector_load_idx %arg8[%add3A_21, %broadcast_in_dim3A_341] : memref<128x200xf32, #tpu.memory_space<vmem>>[vector<16xi32>, vector<16xi32>], vector<16xf32>,
        %gather3A_349 = tpu.vector_load_idx %arg8[%add3A_24, %broadcast_in_dim3A_341] : memref<128x200xf32, #tpu.memory_space<vmem>>[vector<16xi32>, vector<16xi32>], vector<16xf32>,
        %swap3A_350 = arith.constant 1 : i32
        %swap3A_351 = arith.index_cast %scan3A_285 : i32 to index
        %swap3A_352 = arith.index_cast %swap3A_350 : i32 to index
        %swap3A_353 = arith.constant 0 : index
        %swap3A_354 = tpu.vector_load %arg10[%swap3A_351, %swap3A_352, %swap3A_353] {strides = array<i32>} : memref<25x8x128xf32, #tpu.memory_space<vmem>>, vector<16xf32>,
        tpu.vector_store %arg10[%swap3A_351, %swap3A_352, %swap3A_353], %gather3A_342 {strides = array<i32>} : memref<25x8x128xf32, #tpu.memory_space<vmem>>, vector<16xf32>,
        %swap3A_355 = arith.constant 1 : i32
        %swap3A_356 = arith.index_cast %scan3A_285 : i32 to index
        %swap3A_357 = arith.index_cast %swap3A_355 : i32 to index
        %swap3A_358 = arith.constant 16 : index
        %swap3A_359 = tpu.vector_load %arg10[%swap3A_356, %swap3A_357, %swap3A_358] {strides = array<i32>} : memref<25x8x128xf32, #tpu.memory_space<vmem>>, vector<16xf32>,
        tpu.vector_store %arg10[%swap3A_356, %swap3A_357, %swap3A_358], %gather3A_343 {strides = array<i32>} : memref<25x8x128xf32, #tpu.memory_space<vmem>>, vector<16xf32>,
        %swap3A_360 = arith.constant 1 : i32
        %swap3A_361 = arith.index_cast %scan3A_285 : i32 to index
        %swap3A_362 = arith.index_cast %swap3A_360 : i32 to index
        %swap3A_363 = arith.constant 32 : index
        %swap3A_364 = tpu.vector_load %arg10[%swap3A_361, %swap3A_362, %swap3A_363] {strides = array<i32>} : memref<25x8x128xf32, #tpu.memory_space<vmem>>, vector<16xf32>,
        tpu.vector_store %arg10[%swap3A_361, %swap3A_362, %swap3A_363], %gather3A_344 {strides = array<i32>} : memref<25x8x128xf32, #tpu.memory_space<vmem>>, vector<16xf32>,
        %swap3A_365 = arith.constant 1 : i32
        %swap3A_366 = arith.index_cast %scan3A_285 : i32 to index
        %swap3A_367 = arith.index_cast %swap3A_365 : i32 to index
        %swap3A_368 = arith.constant 48 : index
        %swap3A_369 = tpu.vector_load %arg10[%swap3A_366, %swap3A_367, %swap3A_368] {strides = array<i32>} : memref<25x8x128xf32, #tpu.memory_space<vmem>>, vector<16xf32>,
        tpu.vector_store %arg10[%swap3A_366, %swap3A_367, %swap3A_368], %gather3A_345 {strides = array<i32>} : memref<25x8x128xf32, #tpu.memory_space<vmem>>, vector<16xf32>,
        %swap3A_370 = arith.constant 1 : i32
        %swap3A_371 = arith.index_cast %scan3A_285 : i32 to index
        %swap3A_372 = arith.index_cast %swap3A_370 : i32 to index
        %swap3A_373 = arith.constant 64 : index
        %swap3A_374 = tpu.vector_load %arg10[%swap3A_371, %swap3A_372, %swap3A_373] {strides = array<i32>} : memref<25x8x128xf32, #tpu.memory_space<vmem>>, vector<16xf32>,
        tpu.vector_store %arg10[%swap3A_371, %swap3A_372, %swap3A_373], %gather3A_346 {strides = array<i32>} : memref<25x8x128xf32, #tpu.memory_space<vmem>>, vector<16xf32>,
        %swap3A_375 = arith.constant 1 : i32
        %swap3A_376 = arith.index_cast %scan3A_285 : i32 to index
        %swap3A_377 = arith.index_cast %swap3A_375 : i32 to index
        %swap3A_378 = arith.constant 80 : index
        %swap3A_379 = tpu.vector_load %arg10[%swap3A_376, %swap3A_377, %swap3A_378] {strides = array<i32>} : memref<25x8x128xf32, #tpu.memory_space<vmem>>, vector<16xf32>,
        tpu.vector_store %arg10[%swap3A_376, %swap3A_377, %swap3A_378], %gather3A_347 {strides = array<i32>} : memref<25x8x128xf32, #tpu.memory_space<vmem>>, vector<16xf32>,
        %swap3A_380 = arith.constant 1 : i32
        %swap3A_381 = arith.index_cast %scan3A_285 : i32 to index
        %swap3A_382 = arith.index_cast %swap3A_380 : i32 to index
        %swap3A_383 = arith.constant 96 : index
        %swap3A_384 = tpu.vector_load %arg10[%swap3A_381, %swap3A_382, %swap3A_383] {strides = array<i32>} : memref<25x8x128xf32, #tpu.memory_space<vmem>>, vector<16xf32>,
        tpu.vector_store %arg10[%swap3A_381, %swap3A_382, %swap3A_383], %gather3A_348 {strides = array<i32>} : memref<25x8x128xf32, #tpu.memory_space<vmem>>, vector<16xf32>,
        %swap3A_385 = arith.constant 1 : i32
        %swap3A_386 = arith.index_cast %scan3A_285 : i32 to index
        %swap3A_387 = arith.index_cast %swap3A_385 : i32 to index
        %swap3A_388 = arith.constant 112 : index
        %swap3A_389 = tpu.vector_load %arg10[%swap3A_386, %swap3A_387, %swap3A_388] {strides = array<i32>} : memref<25x8x128xf32, #tpu.memory_space<vmem>>, vector<16xf32>,
        tpu.vector_store %arg10[%swap3A_386, %swap3A_387, %swap3A_388], %gather3A_349 {strides = array<i32>} : memref<25x8x128xf32, #tpu.memory_space<vmem>>, vector<16xf32>,
        %mul3A_390 = arith.constant 8 : i32
        %mul3A_391 = arith.muli %scan3A_285, %mul3A_390 : i32
        %add3A_392 = arith.constant 2 : i32
        %add3A_393 = arith.addi %mul3A_391, %add3A_392 : i32
        %broadcast_in_dim3A_394 = vector.broadcast %add3A_393 : i32 to vector<16xi32>
        %gather3A_395 = tpu.vector_load_idx %arg8[%add3A_3, %broadcast_in_dim3A_394] : memref<128x200xf32, #tpu.memory_space<vmem>>[vector<16xi32>, vector<16xi32>], vector<16xf32>,
        %gather3A_396 = tpu.vector_load_idx %arg8[%add3A_6, %broadcast_in_dim3A_394] : memref<128x200xf32, #tpu.memory_space<vmem>>[vector<16xi32>, vector<16xi32>], vector<16xf32>,
        %gather3A_397 = tpu.vector_load_idx %arg8[%add3A_9, %broadcast_in_dim3A_394] : memref<128x200xf32, #tpu.memory_space<vmem>>[vector<16xi32>, vector<16xi32>], vector<16xf32>,
        %gather3A_398 = tpu.vector_load_idx %arg8[%add3A_12, %broadcast_in_dim3A_394] : memref<128x200xf32, #tpu.memory_space<vmem>>[vector<16xi32>, vector<16xi32>], vector<16xf32>,
        %gather3A_399 = tpu.vector_load_idx %arg8[%add3A_15, %broadcast_in_dim3A_394] : memref<128x200xf32, #tpu.memory_space<vmem>>[vector<16xi32>, vector<16xi32>], vector<16xf32>,
        %gather3A_400 = tpu.vector_load_idx %arg8[%add3A_18, %broadcast_in_dim3A_394] : memref<128x200xf32, #tpu.memory_space<vmem>>[vector<16xi32>, vector<16xi32>], vector<16xf32>,
        %gather3A_401 = tpu.vector_load_idx %arg8[%add3A_21, %broadcast_in_dim3A_394] : memref<128x200xf32, #tpu.memory_space<vmem>>[vector<16xi32>, vector<16xi32>], vector<16xf32>,
        %gather3A_402 = tpu.vector_load_idx %arg8[%add3A_24, %broadcast_in_dim3A_394] : memref<128x200xf32, #tpu.memory_space<vmem>>[vector<16xi32>, vector<16xi32>], vector<16xf32>,
        %swap3A_403 = arith.constant 2 : i32
        %swap3A_404 = arith.index_cast %scan3A_285 : i32 to index
        %swap3A_405 = arith.index_cast %swap3A_403 : i32 to index
        %swap3A_406 = arith.constant 0 : index
        %swap3A_407 = tpu.vector_load %arg10[%swap3A_404, %swap3A_405, %swap3A_406] {strides = array<i32>} : memref<25x8x128xf32, #tpu.memory_space<vmem>>, vector<16xf32>,
        tpu.vector_store %arg10[%swap3A_404, %swap3A_405, %swap3A_406], %gather3A_395 {strides = array<i32>} : memref<25x8x128xf32, #tpu.memory_space<vmem>>, vector<16xf32>,
        %swap3A_408 = arith.constant 2 : i32
        %swap3A_409 = arith.index_cast %scan3A_285 : i32 to index
        %swap3A_410 = arith.index_cast %swap3A_408 : i32 to index
        %swap3A_411 = arith.constant 16 : index
        %swap3A_412 = tpu.vector_load %arg10[%swap3A_409, %swap3A_410, %swap3A_411] {strides = array<i32>} : memref<25x8x128xf32, #tpu.memory_space<vmem>>, vector<16xf32>,
        tpu.vector_store %arg10[%swap3A_409, %swap3A_410, %swap3A_411], %gather3A_396 {strides = array<i32>} : memref<25x8x128xf32, #tpu.memory_space<vmem>>, vector<16xf32>,
        %swap3A_413 = arith.constant 2 : i32
        %swap3A_414 = arith.index_cast %scan3A_285 : i32 to index
        %swap3A_415 = arith.index_cast %swap3A_413 : i32 to index
        %swap3A_416 = arith.constant 32 : index
        %swap3A_417 = tpu.vector_load %arg10[%swap3A_414, %swap3A_415, %swap3A_416] {strides = array<i32>} : memref<25x8x128xf32, #tpu.memory_space<vmem>>, vector<16xf32>,
        tpu.vector_store %arg10[%swap3A_414, %swap3A_415, %swap3A_416], %gather3A_397 {strides = array<i32>} : memref<25x8x128xf32, #tpu.memory_space<vmem>>, vector<16xf32>,
        %swap3A_418 = arith.constant 2 : i32
        %swap3A_419 = arith.index_cast %scan3A_285 : i32 to index
        %swap3A_420 = arith.index_cast %swap3A_418 : i32 to index
        %swap3A_421 = arith.constant 48 : index
        %swap3A_422 = tpu.vector_load %arg10[%swap3A_419, %swap3A_420, %swap3A_421] {strides = array<i32>} : memref<25x8x128xf32, #tpu.memory_space<vmem>>, vector<16xf32>,
        tpu.vector_store %arg10[%swap3A_419, %swap3A_420, %swap3A_421], %gather3A_398 {strides = array<i32>} : memref<25x8x128xf32, #tpu.memory_space<vmem>>, vector<16xf32>,
        %swap3A_423 = arith.constant 2 : i32
        %swap3A_424 = arith.index_cast %scan3A_285 : i32 to index
        %swap3A_425 = arith.index_cast %swap3A_423 : i32 to index
        %swap3A_426 = arith.constant 64 : index
        %swap3A_427 = tpu.vector_load %arg10[%swap3A_424, %swap3A_425, %swap3A_426] {strides = array<i32>} : memref<25x8x128xf32, #tpu.memory_space<vmem>>, vector<16xf32>,
        tpu.vector_store %arg10[%swap3A_424, %swap3A_425, %swap3A_426], %gather3A_399 {strides = array<i32>} : memref<25x8x128xf32, #tpu.memory_space<vmem>>, vector<16xf32>,
        %swap3A_428 = arith.constant 2 : i32
        %swap3A_429 = arith.index_cast %scan3A_285 : i32 to index
        %swap3A_430 = arith.index_cast %swap3A_428 : i32 to index
        %swap3A_431 = arith.constant 80 : index
        %swap3A_432 = tpu.vector_load %arg10[%swap3A_429, %swap3A_430, %swap3A_431] {strides = array<i32>} : memref<25x8x128xf32, #tpu.memory_space<vmem>>, vector<16xf32>,
        tpu.vector_store %arg10[%swap3A_429, %swap3A_430, %swap3A_431], %gather3A_400 {strides = array<i32>} : memref<25x8x128xf32, #tpu.memory_space<vmem>>, vector<16xf32>,
        %swap3A_433 = arith.constant 2 : i32
        %swap3A_434 = arith.index_cast %scan3A_285 : i32 to index
        %swap3A_435 = arith.index_cast %swap3A_433 : i32 to index
        %swap3A_436 = arith.constant 96 : index
        %swap3A_437 = tpu.vector_load %arg10[%swap3A_434, %swap3A_435, %swap3A_436] {strides = array<i32>} : memref<25x8x128xf32, #tpu.memory_space<vmem>>, vector<16xf32>,
        tpu.vector_store %arg10[%swap3A_434, %swap3A_435, %swap3A_436], %gather3A_401 {strides = array<i32>} : memref<25x8x128xf32, #tpu.memory_space<vmem>>, vector<16xf32>,
        %swap3A_438 = arith.constant 2 : i32
        %swap3A_439 = arith.index_cast %scan3A_285 : i32 to index
        %swap3A_440 = arith.index_cast %swap3A_438 : i32 to index
        %swap3A_441 = arith.constant 112 : index
        %swap3A_442 = tpu.vector_load %arg10[%swap3A_439, %swap3A_440, %swap3A_441] {strides = array<i32>} : memref<25x8x128xf32, #tpu.memory_space<vmem>>, vector<16xf32>,
        tpu.vector_store %arg10[%swap3A_439, %swap3A_440, %swap3A_441], %gather3A_402 {strides = array<i32>} : memref<25x8x128xf32, #tpu.memory_space<vmem>>, vector<16xf32>,
        %mul3A_443 = arith.constant 8 : i32
        %mul3A_444 = arith.muli %scan3A_285, %mul3A_443 : i32
        %add3A_445 = arith.constant 3 : i32
        %add3A_446 = arith.addi %mul3A_444, %add3A_445 : i32
        %broadcast_in_dim3A_447 = vector.broadcast %add3A_446 : i32 to vector<16xi32>
        %gather3A_448 = tpu.vector_load_idx %arg8[%add3A_3, %broadcast_in_dim3A_447] : memref<128x200xf32, #tpu.memory_space<vmem>>[vector<16xi32>, vector<16xi32>], vector<16xf32>,
        %gather3A_449 = tpu.vector_load_idx %arg8[%add3A_6, %broadcast_in_dim3A_447] : memref<128x200xf32, #tpu.memory_space<vmem>>[vector<16xi32>, vector<16xi32>], vector<16xf32>,
        %gather3A_450 = tpu.vector_load_idx %arg8[%add3A_9, %broadcast_in_dim3A_447] : memref<128x200xf32, #tpu.memory_space<vmem>>[vector<16xi32>, vector<16xi32>], vector<16xf32>,
        %gather3A_451 = tpu.vector_load_idx %arg8[%add3A_12, %broadcast_in_dim3A_447] : memref<128x200xf32, #tpu.memory_space<vmem>>[vector<16xi32>, vector<16xi32>], vector<16xf32>,
        %gather3A_452 = tpu.vector_load_idx %arg8[%add3A_15, %broadcast_in_dim3A_447] : memref<128x200xf32, #tpu.memory_space<vmem>>[vector<16xi32>, vector<16xi32>], vector<16xf32>,
        %gather3A_453 = tpu.vector_load_idx %arg8[%add3A_18, %broadcast_in_dim3A_447] : memref<128x200xf32, #tpu.memory_space<vmem>>[vector<16xi32>, vector<16xi32>], vector<16xf32>,
        %gather3A_454 = tpu.vector_load_idx %arg8[%add3A_21, %broadcast_in_dim3A_447] : memref<128x200xf32, #tpu.memory_space<vmem>>[vector<16xi32>, vector<16xi32>], vector<16xf32>,
        %gather3A_455 = tpu.vector_load_idx %arg8[%add3A_24, %broadcast_in_dim3A_447] : memref<128x200xf32, #tpu.memory_space<vmem>>[vector<16xi32>, vector<16xi32>], vector<16xf32>,
        %swap3A_456 = arith.constant 3 : i32
        %swap3A_457 = arith.index_cast %scan3A_285 : i32 to index
        %swap3A_458 = arith.index_cast %swap3A_456 : i32 to index
        %swap3A_459 = arith.constant 0 : index
        %swap3A_460 = tpu.vector_load %arg10[%swap3A_457, %swap3A_458, %swap3A_459] {strides = array<i32>} : memref<25x8x128xf32, #tpu.memory_space<vmem>>, vector<16xf32>,
        tpu.vector_store %arg10[%swap3A_457, %swap3A_458, %swap3A_459], %gather3A_448 {strides = array<i32>} : memref<25x8x128xf32, #tpu.memory_space<vmem>>, vector<16xf32>,
        %swap3A_461 = arith.constant 3 : i32
        %swap3A_462 = arith.index_cast %scan3A_285 : i32 to index
        %swap3A_463 = arith.index_cast %swap3A_461 : i32 to index
        %swap3A_464 = arith.constant 16 : index
        %swap3A_465 = tpu.vector_load %arg10[%swap3A_462, %swap3A_463, %swap3A_464] {strides = array<i32>} : memref<25x8x128xf32, #tpu.memory_space<vmem>>, vector<16xf32>,
        tpu.vector_store %arg10[%swap3A_462, %swap3A_463, %swap3A_464], %gather3A_449 {strides = array<i32>} : memref<25x8x128xf32, #tpu.memory_space<vmem>>, vector<16xf32>,
        %swap3A_466 = arith.constant 3 : i32
        %swap3A_467 = arith.index_cast %scan3A_285 : i32 to index
        %swap3A_468 = arith.index_cast %swap3A_466 : i32 to index
        %swap3A_469 = arith.constant 32 : index
        %swap3A_470 = tpu.vector_load %arg10[%swap3A_467, %swap3A_468, %swap3A_469] {strides = array<i32>} : memref<25x8x128xf32, #tpu.memory_space<vmem>>, vector<16xf32>,
        tpu.vector_store %arg10[%swap3A_467, %swap3A_468, %swap3A_469], %gather3A_450 {strides = array<i32>} : memref<25x8x128xf32, #tpu.memory_space<vmem>>, vector<16xf32>,
        %swap3A_471 = arith.constant 3 : i32
        %swap3A_472 = arith.index_cast %scan3A_285 : i32 to index
        %swap3A_473 = arith.index_cast %swap3A_471 : i32 to index
        %swap3A_474 = arith.constant 48 : index
        %swap3A_475 = tpu.vector_load %arg10[%swap3A_472, %swap3A_473, %swap3A_474] {strides = array<i32>} : memref<25x8x128xf32, #tpu.memory_space<vmem>>, vector<16xf32>,
        tpu.vector_store %arg10[%swap3A_472, %swap3A_473, %swap3A_474], %gather3A_451 {strides = array<i32>} : memref<25x8x128xf32, #tpu.memory_space<vmem>>, vector<16xf32>,
        %swap3A_476 = arith.constant 3 : i32
        %swap3A_477 = arith.index_cast %scan3A_285 : i32 to index
        %swap3A_478 = arith.index_cast %swap3A_476 : i32 to index
        %swap3A_479 = arith.constant 64 : index
        %swap3A_480 = tpu.vector_load %arg10[%swap3A_477, %swap3A_478, %swap3A_479] {strides = array<i32>} : memref<25x8x128xf32, #tpu.memory_space<vmem>>, vector<16xf32>,
        tpu.vector_store %arg10[%swap3A_477, %swap3A_478, %swap3A_479], %gather3A_452 {strides = array<i32>} : memref<25x8x128xf32, #tpu.memory_space<vmem>>, vector<16xf32>,
        %swap3A_481 = arith.constant 3 : i32
        %swap3A_482 = arith.index_cast %scan3A_285 : i32 to index
        %swap3A_483 = arith.index_cast %swap3A_481 : i32 to index
        %swap3A_484 = arith.constant 80 : index
        %swap3A_485 = tpu.vector_load %arg10[%swap3A_482, %swap3A_483, %swap3A_484] {strides = array<i32>} : memref<25x8x128xf32, #tpu.memory_space<vmem>>, vector<16xf32>,
        tpu.vector_store %arg10[%swap3A_482, %swap3A_483, %swap3A_484], %gather3A_453 {strides = array<i32>} : memref<25x8x128xf32, #tpu.memory_space<vmem>>, vector<16xf32>,
        %swap3A_486 = arith.constant 3 : i32
        %swap3A_487 = arith.index_cast %scan3A_285 : i32 to index
        %swap3A_488 = arith.index_cast %swap3A_486 : i32 to index
        %swap3A_489 = arith.constant 96 : index
        %swap3A_490 = tpu.vector_load %arg10[%swap3A_487, %swap3A_488, %swap3A_489] {strides = array<i32>} : memref<25x8x128xf32, #tpu.memory_space<vmem>>, vector<16xf32>,
        tpu.vector_store %arg10[%swap3A_487, %swap3A_488, %swap3A_489], %gather3A_454 {strides = array<i32>} : memref<25x8x128xf32, #tpu.memory_space<vmem>>, vector<16xf32>,
        %swap3A_491 = arith.constant 3 : i32
        %swap3A_492 = arith.index_cast %scan3A_285 : i32 to index
        %swap3A_493 = arith.index_cast %swap3A_491 : i32 to index
        %swap3A_494 = arith.constant 112 : index
        %swap3A_495 = tpu.vector_load %arg10[%swap3A_492, %swap3A_493, %swap3A_494] {strides = array<i32>} : memref<25x8x128xf32, #tpu.memory_space<vmem>>, vector<16xf32>,
        tpu.vector_store %arg10[%swap3A_492, %swap3A_493, %swap3A_494], %gather3A_455 {strides = array<i32>} : memref<25x8x128xf32, #tpu.memory_space<vmem>>, vector<16xf32>,
        %mul3A_496 = arith.constant 8 : i32
        %mul3A_497 = arith.muli %scan3A_285, %mul3A_496 : i32
        %add3A_498 = arith.constant 4 : i32
        %add3A_499 = arith.addi %mul3A_497, %add3A_498 : i32
        %broadcast_in_dim3A_500 = vector.broadcast %add3A_499 : i32 to vector<16xi32>
        %gather3A_501 = tpu.vector_load_idx %arg8[%add3A_3, %broadcast_in_dim3A_500] : memref<128x200xf32, #tpu.memory_space<vmem>>[vector<16xi32>, vector<16xi32>], vector<16xf32>,
        %gather3A_502 = tpu.vector_load_idx %arg8[%add3A_6, %broadcast_in_dim3A_500] : memref<128x200xf32, #tpu.memory_space<vmem>>[vector<16xi32>, vector<16xi32>], vector<16xf32>,
        %gather3A_503 = tpu.vector_load_idx %arg8[%add3A_9, %broadcast_in_dim3A_500] : memref<128x200xf32, #tpu.memory_space<vmem>>[vector<16xi32>, vector<16xi32>], vector<16xf32>,
        %gather3A_504 = tpu.vector_load_idx %arg8[%add3A_12, %broadcast_in_dim3A_500] : memref<128x200xf32, #tpu.memory_space<vmem>>[vector<16xi32>, vector<16xi32>], vector<16xf32>,
        %gather3A_505 = tpu.vector_load_idx %arg8[%add3A_15, %broadcast_in_dim3A_500] : memref<128x200xf32, #tpu.memory_space<vmem>>[vector<16xi32>, vector<16xi32>], vector<16xf32>,
        %gather3A_506 = tpu.vector_load_idx %arg8[%add3A_18, %broadcast_in_dim3A_500] : memref<128x200xf32, #tpu.memory_space<vmem>>[vector<16xi32>, vector<16xi32>], vector<16xf32>,
        %gather3A_507 = tpu.vector_load_idx %arg8[%add3A_21, %broadcast_in_dim3A_500] : memref<128x200xf32, #tpu.memory_space<vmem>>[vector<16xi32>, vector<16xi32>], vector<16xf32>,
        %gather3A_508 = tpu.vector_load_idx %arg8[%add3A_24, %broadcast_in_dim3A_500] : memref<128x200xf32, #tpu.memory_space<vmem>>[vector<16xi32>, vector<16xi32>], vector<16xf32>,
        %swap3A_509 = arith.constant 4 : i32
        %swap3A_510 = arith.index_cast %scan3A_285 : i32 to index
        %swap3A_511 = arith.index_cast %swap3A_509 : i32 to index
        %swap3A_512 = arith.constant 0 : index
        %swap3A_513 = tpu.vector_load %arg10[%swap3A_510, %swap3A_511, %swap3A_512] {strides = array<i32>} : memref<25x8x128xf32, #tpu.memory_space<vmem>>, vector<16xf32>,
        tpu.vector_store %arg10[%swap3A_510, %swap3A_511, %swap3A_512], %gather3A_501 {strides = array<i32>} : memref<25x8x128xf32, #tpu.memory_space<vmem>>, vector<16xf32>,
        %swap3A_514 = arith.constant 4 : i32
        %swap3A_515 = arith.index_cast %scan3A_285 : i32 to index
        %swap3A_516 = arith.index_cast %swap3A_514 : i32 to index
        %swap3A_517 = arith.constant 16 : index
        %swap3A_518 = tpu.vector_load %arg10[%swap3A_515, %swap3A_516, %swap3A_517] {strides = array<i32>} : memref<25x8x128xf32, #tpu.memory_space<vmem>>, vector<16xf32>,
        tpu.vector_store %arg10[%swap3A_515, %swap3A_516, %swap3A_517], %gather3A_502 {strides = array<i32>} : memref<25x8x128xf32, #tpu.memory_space<vmem>>, vector<16xf32>,
        %swap3A_519 = arith.constant 4 : i32
        %swap3A_520 = arith.index_cast %scan3A_285 : i32 to index
        %swap3A_521 = arith.index_cast %swap3A_519 : i32 to index
        %swap3A_522 = arith.constant 32 : index
        %swap3A_523 = tpu.vector_load %arg10[%swap3A_520, %swap3A_521, %swap3A_522] {strides = array<i32>} : memref<25x8x128xf32, #tpu.memory_space<vmem>>, vector<16xf32>,
        tpu.vector_store %arg10[%swap3A_520, %swap3A_521, %swap3A_522], %gather3A_503 {strides = array<i32>} : memref<25x8x128xf32, #tpu.memory_space<vmem>>, vector<16xf32>,
        %swap3A_524 = arith.constant 4 : i32
        %swap3A_525 = arith.index_cast %scan3A_285 : i32 to index
        %swap3A_526 = arith.index_cast %swap3A_524 : i32 to index
        %swap3A_527 = arith.constant 48 : index
        %swap3A_528 = tpu.vector_load %arg10[%swap3A_525, %swap3A_526, %swap3A_527] {strides = array<i32>} : memref<25x8x128xf32, #tpu.memory_space<vmem>>, vector<16xf32>,
        tpu.vector_store %arg10[%swap3A_525, %swap3A_526, %swap3A_527], %gather3A_504 {strides = array<i32>} : memref<25x8x128xf32, #tpu.memory_space<vmem>>, vector<16xf32>,
        %swap3A_529 = arith.constant 4 : i32
        %swap3A_530 = arith.index_cast %scan3A_285 : i32 to index
        %swap3A_531 = arith.index_cast %swap3A_529 : i32 to index
        %swap3A_532 = arith.constant 64 : index
        %swap3A_533 = tpu.vector_load %arg10[%swap3A_530, %swap3A_531, %swap3A_532] {strides = array<i32>} : memref<25x8x128xf32, #tpu.memory_space<vmem>>, vector<16xf32>,
        tpu.vector_store %arg10[%swap3A_530, %swap3A_531, %swap3A_532], %gather3A_505 {strides = array<i32>} : memref<25x8x128xf32, #tpu.memory_space<vmem>>, vector<16xf32>,
        %swap3A_534 = arith.constant 4 : i32
        %swap3A_535 = arith.index_cast %scan3A_285 : i32 to index
        %swap3A_536 = arith.index_cast %swap3A_534 : i32 to index
        %swap3A_537 = arith.constant 80 : index
        %swap3A_538 = tpu.vector_load %arg10[%swap3A_535, %swap3A_536, %swap3A_537] {strides = array<i32>} : memref<25x8x128xf32, #tpu.memory_space<vmem>>, vector<16xf32>,
        tpu.vector_store %arg10[%swap3A_535, %swap3A_536, %swap3A_537], %gather3A_506 {strides = array<i32>} : memref<25x8x128xf32, #tpu.memory_space<vmem>>, vector<16xf32>,
        %swap3A_539 = arith.constant 4 : i32
        %swap3A_540 = arith.index_cast %scan3A_285 : i32 to index
        %swap3A_541 = arith.index_cast %swap3A_539 : i32 to index
        %swap3A_542 = arith.constant 96 : index
        %swap3A_543 = tpu.vector_load %arg10[%swap3A_540, %swap3A_541, %swap3A_542] {strides = array<i32>} : memref<25x8x128xf32, #tpu.memory_space<vmem>>, vector<16xf32>,
        tpu.vector_store %arg10[%swap3A_540, %swap3A_541, %swap3A_542], %gather3A_507 {strides = array<i32>} : memref<25x8x128xf32, #tpu.memory_space<vmem>>, vector<16xf32>,
        %swap3A_544 = arith.constant 4 : i32
        %swap3A_545 = arith.index_cast %scan3A_285 : i32 to index
        %swap3A_546 = arith.index_cast %swap3A_544 : i32 to index
        %swap3A_547 = arith.constant 112 : index
        %swap3A_548 = tpu.vector_load %arg10[%swap3A_545, %swap3A_546, %swap3A_547] {strides = array<i32>} : memref<25x8x128xf32, #tpu.memory_space<vmem>>, vector<16xf32>,
        tpu.vector_store %arg10[%swap3A_545, %swap3A_546, %swap3A_547], %gather3A_508 {strides = array<i32>} : memref<25x8x128xf32, #tpu.memory_space<vmem>>, vector<16xf32>,
        %mul3A_549 = arith.constant 8 : i32
        %mul3A_550 = arith.muli %scan3A_285, %mul3A_549 : i32
        %add3A_551 = arith.constant 5 : i32
        %add3A_552 = arith.addi %mul3A_550, %add3A_551 : i32
        %broadcast_in_dim3A_553 = vector.broadcast %add3A_552 : i32 to vector<16xi32>
        %gather3A_554 = tpu.vector_load_idx %arg8[%add3A_3, %broadcast_in_dim3A_553] : memref<128x200xf32, #tpu.memory_space<vmem>>[vector<16xi32>, vector<16xi32>], vector<16xf32>,
        %gather3A_555 = tpu.vector_load_idx %arg8[%add3A_6, %broadcast_in_dim3A_553] : memref<128x200xf32, #tpu.memory_space<vmem>>[vector<16xi32>, vector<16xi32>], vector<16xf32>,
        %gather3A_556 = tpu.vector_load_idx %arg8[%add3A_9, %broadcast_in_dim3A_553] : memref<128x200xf32, #tpu.memory_space<vmem>>[vector<16xi32>, vector<16xi32>], vector<16xf32>,
        %gather3A_557 = tpu.vector_load_idx %arg8[%add3A_12, %broadcast_in_dim3A_553] : memref<128x200xf32, #tpu.memory_space<vmem>>[vector<16xi32>, vector<16xi32>], vector<16xf32>,
        %gather3A_558 = tpu.vector_load_idx %arg8[%add3A_15, %broadcast_in_dim3A_553] : memref<128x200xf32, #tpu.memory_space<vmem>>[vector<16xi32>, vector<16xi32>], vector<16xf32>,
        %gather3A_559 = tpu.vector_load_idx %arg8[%add3A_18, %broadcast_in_dim3A_553] : memref<128x200xf32, #tpu.memory_space<vmem>>[vector<16xi32>, vector<16xi32>], vector<16xf32>,
        %gather3A_560 = tpu.vector_load_idx %arg8[%add3A_21, %broadcast_in_dim3A_553] : memref<128x200xf32, #tpu.memory_space<vmem>>[vector<16xi32>, vector<16xi32>], vector<16xf32>,
        %gather3A_561 = tpu.vector_load_idx %arg8[%add3A_24, %broadcast_in_dim3A_553] : memref<128x200xf32, #tpu.memory_space<vmem>>[vector<16xi32>, vector<16xi32>], vector<16xf32>,
        %swap3A_562 = arith.constant 5 : i32
        %swap3A_563 = arith.index_cast %scan3A_285 : i32 to index
        %swap3A_564 = arith.index_cast %swap3A_562 : i32 to index
        %swap3A_565 = arith.constant 0 : index
        %swap3A_566 = tpu.vector_load %arg10[%swap3A_563, %swap3A_564, %swap3A_565] {strides = array<i32>} : memref<25x8x128xf32, #tpu.memory_space<vmem>>, vector<16xf32>,
        tpu.vector_store %arg10[%swap3A_563, %swap3A_564, %swap3A_565], %gather3A_554 {strides = array<i32>} : memref<25x8x128xf32, #tpu.memory_space<vmem>>, vector<16xf32>,
        %swap3A_567 = arith.constant 5 : i32
        %swap3A_568 = arith.index_cast %scan3A_285 : i32 to index
        %swap3A_569 = arith.index_cast %swap3A_567 : i32 to index
        %swap3A_570 = arith.constant 16 : index
        %swap3A_571 = tpu.vector_load %arg10[%swap3A_568, %swap3A_569, %swap3A_570] {strides = array<i32>} : memref<25x8x128xf32, #tpu.memory_space<vmem>>, vector<16xf32>,
        tpu.vector_store %arg10[%swap3A_568, %swap3A_569, %swap3A_570], %gather3A_555 {strides = array<i32>} : memref<25x8x128xf32, #tpu.memory_space<vmem>>, vector<16xf32>,
        %swap3A_572 = arith.constant 5 : i32
        %swap3A_573 = arith.index_cast %scan3A_285 : i32 to index
        %swap3A_574 = arith.index_cast %swap3A_572 : i32 to index
        %swap3A_575 = arith.constant 32 : index
        %swap3A_576 = tpu.vector_load %arg10[%swap3A_573, %swap3A_574, %swap3A_575] {strides = array<i32>} : memref<25x8x128xf32, #tpu.memory_space<vmem>>, vector<16xf32>,
        tpu.vector_store %arg10[%swap3A_573, %swap3A_574, %swap3A_575], %gather3A_556 {strides = array<i32>} : memref<25x8x128xf32, #tpu.memory_space<vmem>>, vector<16xf32>,
        %swap3A_577 = arith.constant 5 : i32
        %swap3A_578 = arith.index_cast %scan3A_285 : i32 to index
        %swap3A_579 = arith.index_cast %swap3A_577 : i32 to index
        %swap3A_580 = arith.constant 48 : index
        %swap3A_581 = tpu.vector_load %arg10[%swap3A_578, %swap3A_579, %swap3A_580] {strides = array<i32>} : memref<25x8x128xf32, #tpu.memory_space<vmem>>, vector<16xf32>,
        tpu.vector_store %arg10[%swap3A_578, %swap3A_579, %swap3A_580], %gather3A_557 {strides = array<i32>} : memref<25x8x128xf32, #tpu.memory_space<vmem>>, vector<16xf32>,
        %swap3A_582 = arith.constant 5 : i32
        %swap3A_583 = arith.index_cast %scan3A_285 : i32 to index
        %swap3A_584 = arith.index_cast %swap3A_582 : i32 to index
        %swap3A_585 = arith.constant 64 : index
        %swap3A_586 = tpu.vector_load %arg10[%swap3A_583, %swap3A_584, %swap3A_585] {strides = array<i32>} : memref<25x8x128xf32, #tpu.memory_space<vmem>>, vector<16xf32>,
        tpu.vector_store %arg10[%swap3A_583, %swap3A_584, %swap3A_585], %gather3A_558 {strides = array<i32>} : memref<25x8x128xf32, #tpu.memory_space<vmem>>, vector<16xf32>,
        %swap3A_587 = arith.constant 5 : i32
        %swap3A_588 = arith.index_cast %scan3A_285 : i32 to index
        %swap3A_589 = arith.index_cast %swap3A_587 : i32 to index
        %swap3A_590 = arith.constant 80 : index
        %swap3A_591 = tpu.vector_load %arg10[%swap3A_588, %swap3A_589, %swap3A_590] {strides = array<i32>} : memref<25x8x128xf32, #tpu.memory_space<vmem>>, vector<16xf32>,
        tpu.vector_store %arg10[%swap3A_588, %swap3A_589, %swap3A_590], %gather3A_559 {strides = array<i32>} : memref<25x8x128xf32, #tpu.memory_space<vmem>>, vector<16xf32>,
        %swap3A_592 = arith.constant 5 : i32
        %swap3A_593 = arith.index_cast %scan3A_285 : i32 to index
        %swap3A_594 = arith.index_cast %swap3A_592 : i32 to index
        %swap3A_595 = arith.constant 96 : index
        %swap3A_596 = tpu.vector_load %arg10[%swap3A_593, %swap3A_594, %swap3A_595] {strides = array<i32>} : memref<25x8x128xf32, #tpu.memory_space<vmem>>, vector<16xf32>,
        tpu.vector_store %arg10[%swap3A_593, %swap3A_594, %swap3A_595], %gather3A_560 {strides = array<i32>} : memref<25x8x128xf32, #tpu.memory_space<vmem>>, vector<16xf32>,
        %swap3A_597 = arith.constant 5 : i32
        %swap3A_598 = arith.index_cast %scan3A_285 : i32 to index
        %swap3A_599 = arith.index_cast %swap3A_597 : i32 to index
        %swap3A_600 = arith.constant 112 : index
        %swap3A_601 = tpu.vector_load %arg10[%swap3A_598, %swap3A_599, %swap3A_600] {strides = array<i32>} : memref<25x8x128xf32, #tpu.memory_space<vmem>>, vector<16xf32>,
        tpu.vector_store %arg10[%swap3A_598, %swap3A_599, %swap3A_600], %gather3A_561 {strides = array<i32>} : memref<25x8x128xf32, #tpu.memory_space<vmem>>, vector<16xf32>,
        %mul3A_602 = arith.constant 8 : i32
        %mul3A_603 = arith.muli %scan3A_285, %mul3A_602 : i32
        %add3A_604 = arith.constant 6 : i32
        %add3A_605 = arith.addi %mul3A_603, %add3A_604 : i32
        %broadcast_in_dim3A_606 = vector.broadcast %add3A_605 : i32 to vector<16xi32>
        %gather3A_607 = tpu.vector_load_idx %arg8[%add3A_3, %broadcast_in_dim3A_606] : memref<128x200xf32, #tpu.memory_space<vmem>>[vector<16xi32>, vector<16xi32>], vector<16xf32>,
        %gather3A_608 = tpu.vector_load_idx %arg8[%add3A_6, %broadcast_in_dim3A_606] : memref<128x200xf32, #tpu.memory_space<vmem>>[vector<16xi32>, vector<16xi32>], vector<16xf32>,
        %gather3A_609 = tpu.vector_load_idx %arg8[%add3A_9, %broadcast_in_dim3A_606] : memref<128x200xf32, #tpu.memory_space<vmem>>[vector<16xi32>, vector<16xi32>], vector<16xf32>,
        %gather3A_610 = tpu.vector_load_idx %arg8[%add3A_12, %broadcast_in_dim3A_606] : memref<128x200xf32, #tpu.memory_space<vmem>>[vector<16xi32>, vector<16xi32>], vector<16xf32>,
        %gather3A_611 = tpu.vector_load_idx %arg8[%add3A_15, %broadcast_in_dim3A_606] : memref<128x200xf32, #tpu.memory_space<vmem>>[vector<16xi32>, vector<16xi32>], vector<16xf32>,
        %gather3A_612 = tpu.vector_load_idx %arg8[%add3A_18, %broadcast_in_dim3A_606] : memref<128x200xf32, #tpu.memory_space<vmem>>[vector<16xi32>, vector<16xi32>], vector<16xf32>,
        %gather3A_613 = tpu.vector_load_idx %arg8[%add3A_21, %broadcast_in_dim3A_606] : memref<128x200xf32, #tpu.memory_space<vmem>>[vector<16xi32>, vector<16xi32>], vector<16xf32>,
        %gather3A_614 = tpu.vector_load_idx %arg8[%add3A_24, %broadcast_in_dim3A_606] : memref<128x200xf32, #tpu.memory_space<vmem>>[vector<16xi32>, vector<16xi32>], vector<16xf32>,
        %swap3A_615 = arith.constant 6 : i32
        %swap3A_616 = arith.index_cast %scan3A_285 : i32 to index
        %swap3A_617 = arith.index_cast %swap3A_615 : i32 to index
        %swap3A_618 = arith.constant 0 : index
        %swap3A_619 = tpu.vector_load %arg10[%swap3A_616, %swap3A_617, %swap3A_618] {strides = array<i32>} : memref<25x8x128xf32, #tpu.memory_space<vmem>>, vector<16xf32>,
        tpu.vector_store %arg10[%swap3A_616, %swap3A_617, %swap3A_618], %gather3A_607 {strides = array<i32>} : memref<25x8x128xf32, #tpu.memory_space<vmem>>, vector<16xf32>,
        %swap3A_620 = arith.constant 6 : i32
        %swap3A_621 = arith.index_cast %scan3A_285 : i32 to index
        %swap3A_622 = arith.index_cast %swap3A_620 : i32 to index
        %swap3A_623 = arith.constant 16 : index
        %swap3A_624 = tpu.vector_load %arg10[%swap3A_621, %swap3A_622, %swap3A_623] {strides = array<i32>} : memref<25x8x128xf32, #tpu.memory_space<vmem>>, vector<16xf32>,
        tpu.vector_store %arg10[%swap3A_621, %swap3A_622, %swap3A_623], %gather3A_608 {strides = array<i32>} : memref<25x8x128xf32, #tpu.memory_space<vmem>>, vector<16xf32>,
        %swap3A_625 = arith.constant 6 : i32
        %swap3A_626 = arith.index_cast %scan3A_285 : i32 to index
        %swap3A_627 = arith.index_cast %swap3A_625 : i32 to index
        %swap3A_628 = arith.constant 32 : index
        %swap3A_629 = tpu.vector_load %arg10[%swap3A_626, %swap3A_627, %swap3A_628] {strides = array<i32>} : memref<25x8x128xf32, #tpu.memory_space<vmem>>, vector<16xf32>,
        tpu.vector_store %arg10[%swap3A_626, %swap3A_627, %swap3A_628], %gather3A_609 {strides = array<i32>} : memref<25x8x128xf32, #tpu.memory_space<vmem>>, vector<16xf32>,
        %swap3A_630 = arith.constant 6 : i32
        %swap3A_631 = arith.index_cast %scan3A_285 : i32 to index
        %swap3A_632 = arith.index_cast %swap3A_630 : i32 to index
        %swap3A_633 = arith.constant 48 : index
        %swap3A_634 = tpu.vector_load %arg10[%swap3A_631, %swap3A_632, %swap3A_633] {strides = array<i32>} : memref<25x8x128xf32, #tpu.memory_space<vmem>>, vector<16xf32>,
        tpu.vector_store %arg10[%swap3A_631, %swap3A_632, %swap3A_633], %gather3A_610 {strides = array<i32>} : memref<25x8x128xf32, #tpu.memory_space<vmem>>, vector<16xf32>,
        %swap3A_635 = arith.constant 6 : i32
        %swap3A_636 = arith.index_cast %scan3A_285 : i32 to index
        %swap3A_637 = arith.index_cast %swap3A_635 : i32 to index
        %swap3A_638 = arith.constant 64 : index
        %swap3A_639 = tpu.vector_load %arg10[%swap3A_636, %swap3A_637, %swap3A_638] {strides = array<i32>} : memref<25x8x128xf32, #tpu.memory_space<vmem>>, vector<16xf32>,
        tpu.vector_store %arg10[%swap3A_636, %swap3A_637, %swap3A_638], %gather3A_611 {strides = array<i32>} : memref<25x8x128xf32, #tpu.memory_space<vmem>>, vector<16xf32>,
        %swap3A_640 = arith.constant 6 : i32
        %swap3A_641 = arith.index_cast %scan3A_285 : i32 to index
        %swap3A_642 = arith.index_cast %swap3A_640 : i32 to index
        %swap3A_643 = arith.constant 80 : index
        %swap3A_644 = tpu.vector_load %arg10[%swap3A_641, %swap3A_642, %swap3A_643] {strides = array<i32>} : memref<25x8x128xf32, #tpu.memory_space<vmem>>, vector<16xf32>,
        tpu.vector_store %arg10[%swap3A_641, %swap3A_642, %swap3A_643], %gather3A_612 {strides = array<i32>} : memref<25x8x128xf32, #tpu.memory_space<vmem>>, vector<16xf32>,
        %swap3A_645 = arith.constant 6 : i32
        %swap3A_646 = arith.index_cast %scan3A_285 : i32 to index
        %swap3A_647 = arith.index_cast %swap3A_645 : i32 to index
        %swap3A_648 = arith.constant 96 : index
        %swap3A_649 = tpu.vector_load %arg10[%swap3A_646, %swap3A_647, %swap3A_648] {strides = array<i32>} : memref<25x8x128xf32, #tpu.memory_space<vmem>>, vector<16xf32>,
        tpu.vector_store %arg10[%swap3A_646, %swap3A_647, %swap3A_648], %gather3A_613 {strides = array<i32>} : memref<25x8x128xf32, #tpu.memory_space<vmem>>, vector<16xf32>,
        %swap3A_650 = arith.constant 6 : i32
        %swap3A_651 = arith.index_cast %scan3A_285 : i32 to index
        %swap3A_652 = arith.index_cast %swap3A_650 : i32 to index
        %swap3A_653 = arith.constant 112 : index
        %swap3A_654 = tpu.vector_load %arg10[%swap3A_651, %swap3A_652, %swap3A_653] {strides = array<i32>} : memref<25x8x128xf32, #tpu.memory_space<vmem>>, vector<16xf32>,
        tpu.vector_store %arg10[%swap3A_651, %swap3A_652, %swap3A_653], %gather3A_614 {strides = array<i32>} : memref<25x8x128xf32, #tpu.memory_space<vmem>>, vector<16xf32>,
        %mul3A_655 = arith.constant 8 : i32
        %mul3A_656 = arith.muli %scan3A_285, %mul3A_655 : i32
        %add3A_657 = arith.constant 7 : i32
        %add3A_658 = arith.addi %mul3A_656, %add3A_657 : i32
        %broadcast_in_dim3A_659 = vector.broadcast %add3A_658 : i32 to vector<16xi32>
        %gather3A_660 = tpu.vector_load_idx %arg8[%add3A_3, %broadcast_in_dim3A_659] : memref<128x200xf32, #tpu.memory_space<vmem>>[vector<16xi32>, vector<16xi32>], vector<16xf32>,
        %gather3A_661 = tpu.vector_load_idx %arg8[%add3A_6, %broadcast_in_dim3A_659] : memref<128x200xf32, #tpu.memory_space<vmem>>[vector<16xi32>, vector<16xi32>], vector<16xf32>,
        %gather3A_662 = tpu.vector_load_idx %arg8[%add3A_9, %broadcast_in_dim3A_659] : memref<128x200xf32, #tpu.memory_space<vmem>>[vector<16xi32>, vector<16xi32>], vector<16xf32>,
        %gather3A_663 = tpu.vector_load_idx %arg8[%add3A_12, %broadcast_in_dim3A_659] : memref<128x200xf32, #tpu.memory_space<vmem>>[vector<16xi32>, vector<16xi32>], vector<16xf32>,
        %gather3A_664 = tpu.vector_load_idx %arg8[%add3A_15, %broadcast_in_dim3A_659] : memref<128x200xf32, #tpu.memory_space<vmem>>[vector<16xi32>, vector<16xi32>], vector<16xf32>,
        %gather3A_665 = tpu.vector_load_idx %arg8[%add3A_18, %broadcast_in_dim3A_659] : memref<128x200xf32, #tpu.memory_space<vmem>>[vector<16xi32>, vector<16xi32>], vector<16xf32>,
        %gather3A_666 = tpu.vector_load_idx %arg8[%add3A_21, %broadcast_in_dim3A_659] : memref<128x200xf32, #tpu.memory_space<vmem>>[vector<16xi32>, vector<16xi32>], vector<16xf32>,
        %gather3A_667 = tpu.vector_load_idx %arg8[%add3A_24, %broadcast_in_dim3A_659] : memref<128x200xf32, #tpu.memory_space<vmem>>[vector<16xi32>, vector<16xi32>], vector<16xf32>,
        %swap3A_668 = arith.constant 7 : i32
        %swap3A_669 = arith.index_cast %scan3A_285 : i32 to index
        %swap3A_670 = arith.index_cast %swap3A_668 : i32 to index
        %swap3A_671 = arith.constant 0 : index
        %swap3A_672 = tpu.vector_load %arg10[%swap3A_669, %swap3A_670, %swap3A_671] {strides = array<i32>} : memref<25x8x128xf32, #tpu.memory_space<vmem>>, vector<16xf32>,
        tpu.vector_store %arg10[%swap3A_669, %swap3A_670, %swap3A_671], %gather3A_660 {strides = array<i32>} : memref<25x8x128xf32, #tpu.memory_space<vmem>>, vector<16xf32>,
        %swap3A_673 = arith.constant 7 : i32
        %swap3A_674 = arith.index_cast %scan3A_285 : i32 to index
        %swap3A_675 = arith.index_cast %swap3A_673 : i32 to index
        %swap3A_676 = arith.constant 16 : index
        %swap3A_677 = tpu.vector_load %arg10[%swap3A_674, %swap3A_675, %swap3A_676] {strides = array<i32>} : memref<25x8x128xf32, #tpu.memory_space<vmem>>, vector<16xf32>,
        tpu.vector_store %arg10[%swap3A_674, %swap3A_675, %swap3A_676], %gather3A_661 {strides = array<i32>} : memref<25x8x128xf32, #tpu.memory_space<vmem>>, vector<16xf32>,
        %swap3A_678 = arith.constant 7 : i32
        %swap3A_679 = arith.index_cast %scan3A_285 : i32 to index
        %swap3A_680 = arith.index_cast %swap3A_678 : i32 to index
        %swap3A_681 = arith.constant 32 : index
        %swap3A_682 = tpu.vector_load %arg10[%swap3A_679, %swap3A_680, %swap3A_681] {strides = array<i32>} : memref<25x8x128xf32, #tpu.memory_space<vmem>>, vector<16xf32>,
        tpu.vector_store %arg10[%swap3A_679, %swap3A_680, %swap3A_681], %gather3A_662 {strides = array<i32>} : memref<25x8x128xf32, #tpu.memory_space<vmem>>, vector<16xf32>,
        %swap3A_683 = arith.constant 7 : i32
        %swap3A_684 = arith.index_cast %scan3A_285 : i32 to index
        %swap3A_685 = arith.index_cast %swap3A_683 : i32 to index
        %swap3A_686 = arith.constant 48 : index
        %swap3A_687 = tpu.vector_load %arg10[%swap3A_684, %swap3A_685, %swap3A_686] {strides = array<i32>} : memref<25x8x128xf32, #tpu.memory_space<vmem>>, vector<16xf32>,
        tpu.vector_store %arg10[%swap3A_684, %swap3A_685, %swap3A_686], %gather3A_663 {strides = array<i32>} : memref<25x8x128xf32, #tpu.memory_space<vmem>>, vector<16xf32>,
        %swap3A_688 = arith.constant 7 : i32
        %swap3A_689 = arith.index_cast %scan3A_285 : i32 to index
        %swap3A_690 = arith.index_cast %swap3A_688 : i32 to index
        %swap3A_691 = arith.constant 64 : index
        %swap3A_692 = tpu.vector_load %arg10[%swap3A_689, %swap3A_690, %swap3A_691] {strides = array<i32>} : memref<25x8x128xf32, #tpu.memory_space<vmem>>, vector<16xf32>,
        tpu.vector_store %arg10[%swap3A_689, %swap3A_690, %swap3A_691], %gather3A_664 {strides = array<i32>} : memref<25x8x128xf32, #tpu.memory_space<vmem>>, vector<16xf32>,
        %swap3A_693 = arith.constant 7 : i32
        %swap3A_694 = arith.index_cast %scan3A_285 : i32 to index
        %swap3A_695 = arith.index_cast %swap3A_693 : i32 to index
        %swap3A_696 = arith.constant 80 : index
        %swap3A_697 = tpu.vector_load %arg10[%swap3A_694, %swap3A_695, %swap3A_696] {strides = array<i32>} : memref<25x8x128xf32, #tpu.memory_space<vmem>>, vector<16xf32>,
        tpu.vector_store %arg10[%swap3A_694, %swap3A_695, %swap3A_696], %gather3A_665 {strides = array<i32>} : memref<25x8x128xf32, #tpu.memory_space<vmem>>, vector<16xf32>,
        %swap3A_698 = arith.constant 7 : i32
        %swap3A_699 = arith.index_cast %scan3A_285 : i32 to index
        %swap3A_700 = arith.index_cast %swap3A_698 : i32 to index
        %swap3A_701 = arith.constant 96 : index
        %swap3A_702 = tpu.vector_load %arg10[%swap3A_699, %swap3A_700, %swap3A_701] {strides = array<i32>} : memref<25x8x128xf32, #tpu.memory_space<vmem>>, vector<16xf32>,
        tpu.vector_store %arg10[%swap3A_699, %swap3A_700, %swap3A_701], %gather3A_666 {strides = array<i32>} : memref<25x8x128xf32, #tpu.memory_space<vmem>>, vector<16xf32>,
        %swap3A_703 = arith.constant 7 : i32
        %swap3A_704 = arith.index_cast %scan3A_285 : i32 to index
        %swap3A_705 = arith.index_cast %swap3A_703 : i32 to index
        %swap3A_706 = arith.constant 112 : index
        %swap3A_707 = tpu.vector_load %arg10[%swap3A_704, %swap3A_705, %swap3A_706] {strides = array<i32>} : memref<25x8x128xf32, #tpu.memory_space<vmem>>, vector<16xf32>,
        tpu.vector_store %arg10[%swap3A_704, %swap3A_705, %swap3A_706], %gather3A_667 {strides = array<i32>} : memref<25x8x128xf32, #tpu.memory_space<vmem>>, vector<16xf32>,
      }
      %scan3A_168 = arith.constant 25 : i32
      %jit3A = arith.constant 5 : i32
      %div3A = arith.divsi %add3A_151, %jit3A : i32
      %sign3A = arith.constant 0 : i32
      %sign3A_169 = arith.cmpi sgt, %add3A_151, %sign3A : i32
      %sign3A_170 = arith.extui %sign3A_169 : i1 to i32
      %sign3A_171 = arith.constant 0 : i32
      %sign3A_172 = arith.cmpi slt, %add3A_151, %sign3A_171 : i32
      %sign3A_173 = arith.extui %sign3A_172 : i1 to i32
      %sign3A_174 = arith.subi %sign3A_170, %sign3A_173 : i32
      %sign3A_175 = arith.constant 0 : i32
      %sign3A_176 = arith.cmpi sgt, %jit3A, %sign3A_175 : i32
      %sign3A_177 = arith.extui %sign3A_176 : i1 to i32
      %sign3A_178 = arith.constant 0 : i32
      %sign3A_179 = arith.cmpi slt, %jit3A, %sign3A_178 : i32
      %sign3A_180 = arith.extui %sign3A_179 : i1 to i32
      %sign3A_181 = arith.subi %sign3A_177, %sign3A_180 : i32
      %ne3A = arith.cmpi ne, %sign3A_174, %sign3A_181 : i32
      %rem3A = arith.remsi %add3A_151, %jit3A : i32
      %ne3A_182 = arith.constant 0 : i32
      %ne3A_183 = arith.cmpi ne, %rem3A, %ne3A_182 : i32
      %and3A = arith.andi %ne3A, %ne3A_183 : i1
      %sub3A = arith.constant 1 : i32
      %sub3A_184 = arith.subi %div3A, %sub3A : i32
      %select_n3A = arith.select %and3A, %sub3A_184, %div3A : i32
      %jit3A_185 = arith.constant 5 : i32
      %eq3A = arith.constant 0 : i32
      %eq3A_186 = arith.cmpi eq, %jit3A_185, %eq3A : i32
      %jit3A_187 = arith.constant 1 : i32
      %select_n3A_188 = arith.select %eq3A_186, %jit3A_187, %jit3A_185 : i32
      %rem3A_189 = arith.remsi %add3A_151, %select_n3A_188 : i32
      %ne3A_190 = arith.constant 0 : i32
      %ne3A_191 = arith.cmpi ne, %rem3A_189, %ne3A_190 : i32
      %lt3A_192 = arith.constant 0 : i32
      %lt3A_193 = arith.cmpi slt, %rem3A_189, %lt3A_192 : i32
      %lt3A_194 = arith.constant 0 : i32
      %lt3A_195 = arith.cmpi slt, %select_n3A_188, %lt3A_194 : i32
      %ne3A_196 = arith.xori %lt3A_193, %lt3A_195 : i1
      %and3A_197 = arith.andi %ne3A_196, %ne3A_191 : i1
      %add3A_198 = arith.addi %rem3A_189, %select_n3A_188 : i32
      %select_n3A_199 = arith.select %and3A_197, %add3A_198, %rem3A_189 : i32
      %mul3A_200 = arith.constant 25 : i32
      %mul3A_201 = arith.muli %select_n3A_199, %mul3A_200 : i32
      %dma_start3A_202 = arith.constant 0 : i32
      %dma_start3A_203 = arith.constant 0 : i32
      %dma_start3A_204 = tpu.memref_slice %arg4[%select_n3A, %mul3A_201, %add3A, %dma_start3A_202, %dma_start3A_203] : memref<50x125x32x8x128xf32, #tpu.memory_space<hbm>> -> memref<1x25x1x8x128xf32, #tpu.memory_space<hbm>>
      %dma_start3A_205 = tpu.memref_squeeze %dma_start3A_204 : memref<1x25x1x8x128xf32, #tpu.memory_space<hbm>> -> memref<25x8x128xf32, #tpu.memory_space<hbm>>
      %dma_start3A_206 = arith.constant 0 : i32
      %dma_start3A_207 = arith.constant 0 : i32
      %dma_start3A_208 = tpu.memref_slice %arg4[%select_n3A, %mul3A_201, %add3A, %dma_start3A_206, %dma_start3A_207] : memref<50x125x32x8x128xf32, #tpu.memory_space<hbm>> -> memref<1x25x1x8x128xf32, #tpu.memory_space<hbm>>
      %dma_start3A_209 = tpu.memref_squeeze %dma_start3A_208 : memref<1x25x1x8x128xf32, #tpu.memory_space<hbm>> -> memref<25x8x128xf32, #tpu.memory_space<hbm>>
      tpu.enqueue_dma source(%arg10 : memref<25x8x128xf32, #tpu.memory_space<vmem>>) target(%dma_start3A_209 : memref<25x8x128xf32, #tpu.memory_space<hbm>>) target_semaphore(%arg14 : memref<!tpu.dma_semaphore, #tpu.memory_space<semaphore_mem>>)
      %mul3A_210 = arith.constant 2 : i32
      %mul3A_211 = arith.muli %scan3A_147, %mul3A_210 : i32
      %add3A_212 = arith.constant 1 : i32
      %add3A_213 = arith.addi %mul3A_211, %add3A_212 : i32
      %add3A_214 = arith.constant 1 : i32
      %add3A_215 = arith.addi %add3A_213, %add3A_214 : i32
      %lt3A_216 = arith.constant 250 : i32
      %lt3A_217 = arith.cmpi slt, %add3A_215, %lt3A_216 : i32
      %convert_element_type3A_218 = arith.extui %lt3A_217 : i1 to i32
      %cond3A_219 = arith.constant 0 : i32
      %cond3A_220 = arith.cmpi ne, %convert_element_type3A_218, %cond3A_219 : i32
      scf.if %cond3A_220 {
        %add3A_285 = arith.constant 1 : i32
        %add3A_286 = arith.addi %add3A_213, %add3A_285 : i32
        %jit3A_287 = arith.constant 5 : i32
        %div3A_288 = arith.divsi %add3A_286, %jit3A_287 : i32
        %sign3A_289 = arith.constant 0 : i32
        %sign3A_290 = arith.cmpi sgt, %add3A_286, %sign3A_289 : i32
        %sign3A_291 = arith.extui %sign3A_290 : i1 to i32
        %sign3A_292 = arith.constant 0 : i32
        %sign3A_293 = arith.cmpi slt, %add3A_286, %sign3A_292 : i32
        %sign3A_294 = arith.extui %sign3A_293 : i1 to i32
        %sign3A_295 = arith.subi %sign3A_291, %sign3A_294 : i32
        %sign3A_296 = arith.constant 0 : i32
        %sign3A_297 = arith.cmpi sgt, %jit3A_287, %sign3A_296 : i32
        %sign3A_298 = arith.extui %sign3A_297 : i1 to i32
        %sign3A_299 = arith.constant 0 : i32
        %sign3A_300 = arith.cmpi slt, %jit3A_287, %sign3A_299 : i32
        %sign3A_301 = arith.extui %sign3A_300 : i1 to i32
        %sign3A_302 = arith.subi %sign3A_298, %sign3A_301 : i32
        %ne3A_303 = arith.cmpi ne, %sign3A_295, %sign3A_302 : i32
        %rem3A_304 = arith.remsi %add3A_286, %jit3A_287 : i32
        %ne3A_305 = arith.constant 0 : i32
        %ne3A_306 = arith.cmpi ne, %rem3A_304, %ne3A_305 : i32
        %and3A_307 = arith.andi %ne3A_303, %ne3A_306 : i1
        %sub3A_308 = arith.constant 1 : i32
        %sub3A_309 = arith.subi %div3A_288, %sub3A_308 : i32
        %select_n3A_310 = arith.select %and3A_307, %sub3A_309, %div3A_288 : i32
        %jit3A_311 = arith.constant 5 : i32
        %eq3A_312 = arith.constant 0 : i32
        %eq3A_313 = arith.cmpi eq, %jit3A_311, %eq3A_312 : i32
        %jit3A_314 = arith.constant 1 : i32
        %select_n3A_315 = arith.select %eq3A_313, %jit3A_314, %jit3A_311 : i32
        %rem3A_316 = arith.remsi %add3A_286, %select_n3A_315 : i32
        %ne3A_317 = arith.constant 0 : i32
        %ne3A_318 = arith.cmpi ne, %rem3A_316, %ne3A_317 : i32
        %lt3A_319 = arith.constant 0 : i32
        %lt3A_320 = arith.cmpi slt, %rem3A_316, %lt3A_319 : i32
        %lt3A_321 = arith.constant 0 : i32
        %lt3A_322 = arith.cmpi slt, %select_n3A_315, %lt3A_321 : i32
        %ne3A_323 = arith.xori %lt3A_320, %lt3A_322 : i1
        %and3A_324 = arith.andi %ne3A_323, %ne3A_318 : i1
        %add3A_325 = arith.addi %rem3A_316, %select_n3A_315 : i32
        %select_n3A_326 = arith.select %and3A_324, %add3A_325, %rem3A_316 : i32
        %get3A_327 = arith.index_cast %select_n3A_310 : i32 to index
        %get3A_328 = arith.constant 0 : index
        %get3A_329 = tpu.vector_load %arg5[%get3A_327, %get3A_328] {strides = array<i32>} : memref<50x128xi32, #tpu.memory_space<vmem>>, vector<16xi32>,
        %mul3A_330 = arith.constant 5 : i32
        %mul3A_331 = vector.broadcast %mul3A_330 : i32 to vector<16xi32>
        %mul3A_332 = arith.muli %get3A_329, %mul3A_331 : vector<16xi32>
        %add3A_333 = vector.broadcast %select_n3A_326 : i32 to vector<16xi32>
        %add3A_334 = arith.addi %mul3A_332, %add3A_333 : vector<16xi32>
        %swap3A_335 = arith.constant 0 : index
        %swap3A_336 = tpu.vector_load %arg6[%swap3A_335] {strides = array<i32>} : memref<128xi32, #tpu.memory_space<vmem>>, vector<16xi32>,
        tpu.vector_store %arg6[%swap3A_335], %add3A_334 {strides = array<i32>} : memref<128xi32, #tpu.memory_space<vmem>>, vector<16xi32>,
        %get3A_337 = arith.index_cast %select_n3A_310 : i32 to index
        %get3A_338 = arith.constant 16 : index
        %get3A_339 = tpu.vector_load %arg5[%get3A_337, %get3A_338] {strides = array<i32>} : memref<50x128xi32, #tpu.memory_space<vmem>>, vector<16xi32>,
        %mul3A_340 = arith.constant 5 : i32
        %mul3A_341 = vector.broadcast %mul3A_340 : i32 to vector<16xi32>
        %mul3A_342 = arith.muli %get3A_339, %mul3A_341 : vector<16xi32>
        %add3A_343 = vector.broadcast %select_n3A_326 : i32 to vector<16xi32>
        %add3A_344 = arith.addi %mul3A_342, %add3A_343 : vector<16xi32>
        %swap3A_345 = arith.constant 16 : index
        %swap3A_346 = tpu.vector_load %arg6[%swap3A_345] {strides = array<i32>} : memref<128xi32, #tpu.memory_space<vmem>>, vector<16xi32>,
        tpu.vector_store %arg6[%swap3A_345], %add3A_344 {strides = array<i32>} : memref<128xi32, #tpu.memory_space<vmem>>, vector<16xi32>,
        %get3A_347 = arith.index_cast %select_n3A_310 : i32 to index
        %get3A_348 = arith.constant 32 : index
        %get3A_349 = tpu.vector_load %arg5[%get3A_347, %get3A_348] {strides = array<i32>} : memref<50x128xi32, #tpu.memory_space<vmem>>, vector<16xi32>,
        %mul3A_350 = arith.constant 5 : i32
        %mul3A_351 = vector.broadcast %mul3A_350 : i32 to vector<16xi32>
        %mul3A_352 = arith.muli %get3A_349, %mul3A_351 : vector<16xi32>
        %add3A_353 = vector.broadcast %select_n3A_326 : i32 to vector<16xi32>
        %add3A_354 = arith.addi %mul3A_352, %add3A_353 : vector<16xi32>
        %swap3A_355 = arith.constant 32 : index
        %swap3A_356 = tpu.vector_load %arg6[%swap3A_355] {strides = array<i32>} : memref<128xi32, #tpu.memory_space<vmem>>, vector<16xi32>,
        tpu.vector_store %arg6[%swap3A_355], %add3A_354 {strides = array<i32>} : memref<128xi32, #tpu.memory_space<vmem>>, vector<16xi32>,
        %get3A_357 = arith.index_cast %select_n3A_310 : i32 to index
        %get3A_358 = arith.constant 48 : index
        %get3A_359 = tpu.vector_load %arg5[%get3A_357, %get3A_358] {strides = array<i32>} : memref<50x128xi32, #tpu.memory_space<vmem>>, vector<16xi32>,
        %mul3A_360 = arith.constant 5 : i32
        %mul3A_361 = vector.broadcast %mul3A_360 : i32 to vector<16xi32>
        %mul3A_362 = arith.muli %get3A_359, %mul3A_361 : vector<16xi32>
        %add3A_363 = vector.broadcast %select_n3A_326 : i32 to vector<16xi32>
        %add3A_364 = arith.addi %mul3A_362, %add3A_363 : vector<16xi32>
        %swap3A_365 = arith.constant 48 : index
        %swap3A_366 = tpu.vector_load %arg6[%swap3A_365] {strides = array<i32>} : memref<128xi32, #tpu.memory_space<vmem>>, vector<16xi32>,
        tpu.vector_store %arg6[%swap3A_365], %add3A_364 {strides = array<i32>} : memref<128xi32, #tpu.memory_space<vmem>>, vector<16xi32>,
        %get3A_367 = arith.index_cast %select_n3A_310 : i32 to index
        %get3A_368 = arith.constant 64 : index
        %get3A_369 = tpu.vector_load %arg5[%get3A_367, %get3A_368] {strides = array<i32>} : memref<50x128xi32, #tpu.memory_space<vmem>>, vector<16xi32>,
        %mul3A_370 = arith.constant 5 : i32
        %mul3A_371 = vector.broadcast %mul3A_370 : i32 to vector<16xi32>
        %mul3A_372 = arith.muli %get3A_369, %mul3A_371 : vector<16xi32>
        %add3A_373 = vector.broadcast %select_n3A_326 : i32 to vector<16xi32>
        %add3A_374 = arith.addi %mul3A_372, %add3A_373 : vector<16xi32>
        %swap3A_375 = arith.constant 64 : index
        %swap3A_376 = tpu.vector_load %arg6[%swap3A_375] {strides = array<i32>} : memref<128xi32, #tpu.memory_space<vmem>>, vector<16xi32>,
        tpu.vector_store %arg6[%swap3A_375], %add3A_374 {strides = array<i32>} : memref<128xi32, #tpu.memory_space<vmem>>, vector<16xi32>,
        %get3A_377 = arith.index_cast %select_n3A_310 : i32 to index
        %get3A_378 = arith.constant 80 : index
        %get3A_379 = tpu.vector_load %arg5[%get3A_377, %get3A_378] {strides = array<i32>} : memref<50x128xi32, #tpu.memory_space<vmem>>, vector<16xi32>,
        %mul3A_380 = arith.constant 5 : i32
        %mul3A_381 = vector.broadcast %mul3A_380 : i32 to vector<16xi32>
        %mul3A_382 = arith.muli %get3A_379, %mul3A_381 : vector<16xi32>
        %add3A_383 = vector.broadcast %select_n3A_326 : i32 to vector<16xi32>
        %add3A_384 = arith.addi %mul3A_382, %add3A_383 : vector<16xi32>
        %swap3A_385 = arith.constant 80 : index
        %swap3A_386 = tpu.vector_load %arg6[%swap3A_385] {strides = array<i32>} : memref<128xi32, #tpu.memory_space<vmem>>, vector<16xi32>,
        tpu.vector_store %arg6[%swap3A_385], %add3A_384 {strides = array<i32>} : memref<128xi32, #tpu.memory_space<vmem>>, vector<16xi32>,
        %get3A_387 = arith.index_cast %select_n3A_310 : i32 to index
        %get3A_388 = arith.constant 96 : index
        %get3A_389 = tpu.vector_load %arg5[%get3A_387, %get3A_388] {strides = array<i32>} : memref<50x128xi32, #tpu.memory_space<vmem>>, vector<16xi32>,
        %mul3A_390 = arith.constant 5 : i32
        %mul3A_391 = vector.broadcast %mul3A_390 : i32 to vector<16xi32>
        %mul3A_392 = arith.muli %get3A_389, %mul3A_391 : vector<16xi32>
        %add3A_393 = vector.broadcast %select_n3A_326 : i32 to vector<16xi32>
        %add3A_394 = arith.addi %mul3A_392, %add3A_393 : vector<16xi32>
        %swap3A_395 = arith.constant 96 : index
        %swap3A_396 = tpu.vector_load %arg6[%swap3A_395] {strides = array<i32>} : memref<128xi32, #tpu.memory_space<vmem>>, vector<16xi32>,
        tpu.vector_store %arg6[%swap3A_395], %add3A_394 {strides = array<i32>} : memref<128xi32, #tpu.memory_space<vmem>>, vector<16xi32>,
        %get3A_397 = arith.index_cast %select_n3A_310 : i32 to index
        %get3A_398 = arith.constant 112 : index
        %get3A_399 = tpu.vector_load %arg5[%get3A_397, %get3A_398] {strides = array<i32>} : memref<50x128xi32, #tpu.memory_space<vmem>>, vector<16xi32>,
        %mul3A_400 = arith.constant 5 : i32
        %mul3A_401 = vector.broadcast %mul3A_400 : i32 to vector<16xi32>
        %mul3A_402 = arith.muli %get3A_399, %mul3A_401 : vector<16xi32>
        %add3A_403 = vector.broadcast %select_n3A_326 : i32 to vector<16xi32>
        %add3A_404 = arith.addi %mul3A_402, %add3A_403 : vector<16xi32>
        %swap3A_405 = arith.constant 112 : index
        %swap3A_406 = tpu.vector_load %arg6[%swap3A_405] {strides = array<i32>} : memref<128xi32, #tpu.memory_space<vmem>>, vector<16xi32>,
        tpu.vector_store %arg6[%swap3A_405], %add3A_404 {strides = array<i32>} : memref<128xi32, #tpu.memory_space<vmem>>, vector<16xi32>,
        %dma_start3A_407 = arith.constant 0 : i32
        %dma_start3A_408 = arith.constant 0 : i32
        %dma_start3A_409 = tpu.memref_slice %arg2[%dma_start3A_407, %dma_start3A_408] : memref<5000x200xf32, #tpu.memory_space<hbm>> -> memref<5000x200xf32, #tpu.memory_space<hbm>>
        tpu.enqueue_indirect_dma source(%dma_start3A_409 : memref<5000x200xf32, #tpu.memory_space<hbm>>) target(%arg8 : memref<128x200xf32, #tpu.memory_space<vmem>>) offsets(%arg6 : memref<128xi32, #tpu.memory_space<vmem>>) semaphore(%arg12 : memref<!tpu.dma_semaphore, #tpu.memory_space<semaphore_mem>>)
      } else {
      }
      %ge3A_221 = arith.constant 2 : i32
      %ge3A_222 = arith.cmpi sge, %add3A_213, %ge3A_221 : i32
      %convert_element_type3A_223 = arith.extui %ge3A_222 : i1 to i32
      %cond3A_224 = arith.constant 0 : i32
      %cond3A_225 = arith.cmpi ne, %convert_element_type3A_223, %cond3A_224 : i32
      scf.if %cond3A_225 {
        %sub3A_285 = arith.constant 2 : i32
        %sub3A_286 = arith.subi %add3A_213, %sub3A_285 : i32
        %jit3A_287 = arith.constant 5 : i32
        %div3A_288 = arith.divsi %sub3A_286, %jit3A_287 : i32
        %sign3A_289 = arith.constant 0 : i32
        %sign3A_290 = arith.cmpi sgt, %sub3A_286, %sign3A_289 : i32
        %sign3A_291 = arith.extui %sign3A_290 : i1 to i32
        %sign3A_292 = arith.constant 0 : i32
        %sign3A_293 = arith.cmpi slt, %sub3A_286, %sign3A_292 : i32
        %sign3A_294 = arith.extui %sign3A_293 : i1 to i32
        %sign3A_295 = arith.subi %sign3A_291, %sign3A_294 : i32
        %sign3A_296 = arith.constant 0 : i32
        %sign3A_297 = arith.cmpi sgt, %jit3A_287, %sign3A_296 : i32
        %sign3A_298 = arith.extui %sign3A_297 : i1 to i32
        %sign3A_299 = arith.constant 0 : i32
        %sign3A_300 = arith.cmpi slt, %jit3A_287, %sign3A_299 : i32
        %sign3A_301 = arith.extui %sign3A_300 : i1 to i32
        %sign3A_302 = arith.subi %sign3A_298, %sign3A_301 : i32
        %ne3A_303 = arith.cmpi ne, %sign3A_295, %sign3A_302 : i32
        %rem3A_304 = arith.remsi %sub3A_286, %jit3A_287 : i32
        %ne3A_305 = arith.constant 0 : i32
        %ne3A_306 = arith.cmpi ne, %rem3A_304, %ne3A_305 : i32
        %and3A_307 = arith.andi %ne3A_303, %ne3A_306 : i1
        %sub3A_308 = arith.constant 1 : i32
        %sub3A_309 = arith.subi %div3A_288, %sub3A_308 : i32
        %select_n3A_310 = arith.select %and3A_307, %sub3A_309, %div3A_288 : i32
        %jit3A_311 = arith.constant 5 : i32
        %eq3A_312 = arith.constant 0 : i32
        %eq3A_313 = arith.cmpi eq, %jit3A_311, %eq3A_312 : i32
        %jit3A_314 = arith.constant 1 : i32
        %select_n3A_315 = arith.select %eq3A_313, %jit3A_314, %jit3A_311 : i32
        %rem3A_316 = arith.remsi %sub3A_286, %select_n3A_315 : i32
        %ne3A_317 = arith.constant 0 : i32
        %ne3A_318 = arith.cmpi ne, %rem3A_316, %ne3A_317 : i32
        %lt3A_319 = arith.constant 0 : i32
        %lt3A_320 = arith.cmpi slt, %rem3A_316, %lt3A_319 : i32
        %lt3A_321 = arith.constant 0 : i32
        %lt3A_322 = arith.cmpi slt, %select_n3A_315, %lt3A_321 : i32
        %ne3A_323 = arith.xori %lt3A_320, %lt3A_322 : i1
        %and3A_324 = arith.andi %ne3A_323, %ne3A_318 : i1
        %add3A_325 = arith.addi %rem3A_316, %select_n3A_315 : i32
        %select_n3A_326 = arith.select %and3A_324, %add3A_325, %rem3A_316 : i32
        %mul3A_327 = arith.constant 25 : i32
        %mul3A_328 = arith.muli %select_n3A_326, %mul3A_327 : i32
        %dma_wait3A_329 = arith.constant 0 : i32
        %dma_wait3A_330 = arith.constant 0 : i32
        %dma_wait3A_331 = tpu.memref_slice %arg4[%select_n3A_310, %mul3A_328, %add3A, %dma_wait3A_329, %dma_wait3A_330] : memref<50x125x32x8x128xf32, #tpu.memory_space<hbm>> -> memref<1x25x1x8x128xf32, #tpu.memory_space<hbm>>
        %dma_wait3A_332 = tpu.memref_squeeze %dma_wait3A_331 : memref<1x25x1x8x128xf32, #tpu.memory_space<hbm>> -> memref<25x8x128xf32, #tpu.memory_space<hbm>>
        %dma_wait3A_333 = arith.constant 0 : i32
        %dma_wait3A_334 = arith.constant 0 : i32
        %dma_wait3A_335 = tpu.memref_slice %arg4[%select_n3A_310, %mul3A_328, %add3A, %dma_wait3A_333, %dma_wait3A_334] : memref<50x125x32x8x128xf32, #tpu.memory_space<hbm>> -> memref<1x25x1x8x128xf32, #tpu.memory_space<hbm>>
        %dma_wait3A_336 = tpu.memref_squeeze %dma_wait3A_335 : memref<1x25x1x8x128xf32, #tpu.memory_space<hbm>> -> memref<25x8x128xf32, #tpu.memory_space<hbm>>
        tpu.wait_dma2 semaphore(%arg15 : memref<!tpu.dma_semaphore, #tpu.memory_space<semaphore_mem>>) src(%arg11 : memref<25x8x128xf32, #tpu.memory_space<vmem>>) dst(%dma_wait3A_336 : memref<25x8x128xf32, #tpu.memory_space<hbm>>)
      } else {
      }
      %dma_wait3A_226 = arith.constant 0 : i32
      %dma_wait3A_227 = arith.constant 0 : i32
      %dma_wait3A_228 = tpu.memref_slice %arg2[%dma_wait3A_226, %dma_wait3A_227] : memref<5000x200xf32, #tpu.memory_space<hbm>> -> memref<5000x200xf32, #tpu.memory_space<hbm>>
      tpu.wait_indirect_dma semaphore(%arg13 : memref<!tpu.dma_semaphore, #tpu.memory_space<semaphore_mem>>) src(%dma_wait3A_228 : memref<5000x200xf32, #tpu.memory_space<hbm>>) dst(%arg9 : memref<128x200xf32, #tpu.memory_space<vmem>>)
      %scan3A_229 = arith.constant 0 : i32
      %scan3A_230 = arith.constant 0 : i32
      %scan3A_231 = arith.constant 25 : i32
      %scan3A_232 = arith.addi %scan3A_230, %scan3A_231 : i32
      %scan3A_233 = arith.constant 1 : i32
      scf.for %scan3A_285 = %scan3A_230 to %scan3A_232 step %scan3A_233  : i32 {
        %mul3A_286 = arith.constant 8 : i32
        %mul3A_287 = arith.muli %scan3A_285, %mul3A_286 : i32
        %add3A_288 = arith.constant 0 : i32
        %add3A_289 = arith.addi %mul3A_287, %add3A_288 : i32
        %broadcast_in_dim3A = vector.broadcast %add3A_289 : i32 to vector<16xi32>
        %gather3A = tpu.vector_load_idx %arg9[%add3A_3, %broadcast_in_dim3A] : memref<128x200xf32, #tpu.memory_space<vmem>>[vector<16xi32>, vector<16xi32>], vector<16xf32>,
        %gather3A_290 = tpu.vector_load_idx %arg9[%add3A_6, %broadcast_in_dim3A] : memref<128x200xf32, #tpu.memory_space<vmem>>[vector<16xi32>, vector<16xi32>], vector<16xf32>,
        %gather3A_291 = tpu.vector_load_idx %arg9[%add3A_9, %broadcast_in_dim3A] : memref<128x200xf32, #tpu.memory_space<vmem>>[vector<16xi32>, vector<16xi32>], vector<16xf32>,
        %gather3A_292 = tpu.vector_load_idx %arg9[%add3A_12, %broadcast_in_dim3A] : memref<128x200xf32, #tpu.memory_space<vmem>>[vector<16xi32>, vector<16xi32>], vector<16xf32>,
        %gather3A_293 = tpu.vector_load_idx %arg9[%add3A_15, %broadcast_in_dim3A] : memref<128x200xf32, #tpu.memory_space<vmem>>[vector<16xi32>, vector<16xi32>], vector<16xf32>,
        %gather3A_294 = tpu.vector_load_idx %arg9[%add3A_18, %broadcast_in_dim3A] : memref<128x200xf32, #tpu.memory_space<vmem>>[vector<16xi32>, vector<16xi32>], vector<16xf32>,
        %gather3A_295 = tpu.vector_load_idx %arg9[%add3A_21, %broadcast_in_dim3A] : memref<128x200xf32, #tpu.memory_space<vmem>>[vector<16xi32>, vector<16xi32>], vector<16xf32>,
        %gather3A_296 = tpu.vector_load_idx %arg9[%add3A_24, %broadcast_in_dim3A] : memref<128x200xf32, #tpu.memory_space<vmem>>[vector<16xi32>, vector<16xi32>], vector<16xf32>,
        %swap3A_297 = arith.constant 0 : i32
        %swap3A_298 = arith.index_cast %scan3A_285 : i32 to index
        %swap3A_299 = arith.index_cast %swap3A_297 : i32 to index
        %swap3A_300 = arith.constant 0 : index
        %swap3A_301 = tpu.vector_load %arg11[%swap3A_298, %swap3A_299, %swap3A_300] {strides = array<i32>} : memref<25x8x128xf32, #tpu.memory_space<vmem>>, vector<16xf32>,
        tpu.vector_store %arg11[%swap3A_298, %swap3A_299, %swap3A_300], %gather3A {strides = array<i32>} : memref<25x8x128xf32, #tpu.memory_space<vmem>>, vector<16xf32>,
        %swap3A_302 = arith.constant 0 : i32
        %swap3A_303 = arith.index_cast %scan3A_285 : i32 to index
        %swap3A_304 = arith.index_cast %swap3A_302 : i32 to index
        %swap3A_305 = arith.constant 16 : index
        %swap3A_306 = tpu.vector_load %arg11[%swap3A_303, %swap3A_304, %swap3A_305] {strides = array<i32>} : memref<25x8x128xf32, #tpu.memory_space<vmem>>, vector<16xf32>,
        tpu.vector_store %arg11[%swap3A_303, %swap3A_304, %swap3A_305], %gather3A_290 {strides = array<i32>} : memref<25x8x128xf32, #tpu.memory_space<vmem>>, vector<16xf32>,
        %swap3A_307 = arith.constant 0 : i32
        %swap3A_308 = arith.index_cast %scan3A_285 : i32 to index
        %swap3A_309 = arith.index_cast %swap3A_307 : i32 to index
        %swap3A_310 = arith.constant 32 : index
        %swap3A_311 = tpu.vector_load %arg11[%swap3A_308, %swap3A_309, %swap3A_310] {strides = array<i32>} : memref<25x8x128xf32, #tpu.memory_space<vmem>>, vector<16xf32>,
        tpu.vector_store %arg11[%swap3A_308, %swap3A_309, %swap3A_310], %gather3A_291 {strides = array<i32>} : memref<25x8x128xf32, #tpu.memory_space<vmem>>, vector<16xf32>,
        %swap3A_312 = arith.constant 0 : i32
        %swap3A_313 = arith.index_cast %scan3A_285 : i32 to index
        %swap3A_314 = arith.index_cast %swap3A_312 : i32 to index
        %swap3A_315 = arith.constant 48 : index
        %swap3A_316 = tpu.vector_load %arg11[%swap3A_313, %swap3A_314, %swap3A_315] {strides = array<i32>} : memref<25x8x128xf32, #tpu.memory_space<vmem>>, vector<16xf32>,
        tpu.vector_store %arg11[%swap3A_313, %swap3A_314, %swap3A_315], %gather3A_292 {strides = array<i32>} : memref<25x8x128xf32, #tpu.memory_space<vmem>>, vector<16xf32>,
        %swap3A_317 = arith.constant 0 : i32
        %swap3A_318 = arith.index_cast %scan3A_285 : i32 to index
        %swap3A_319 = arith.index_cast %swap3A_317 : i32 to index
        %swap3A_320 = arith.constant 64 : index
        %swap3A_321 = tpu.vector_load %arg11[%swap3A_318, %swap3A_319, %swap3A_320] {strides = array<i32>} : memref<25x8x128xf32, #tpu.memory_space<vmem>>, vector<16xf32>,
        tpu.vector_store %arg11[%swap3A_318, %swap3A_319, %swap3A_320], %gather3A_293 {strides = array<i32>} : memref<25x8x128xf32, #tpu.memory_space<vmem>>, vector<16xf32>,
        %swap3A_322 = arith.constant 0 : i32
        %swap3A_323 = arith.index_cast %scan3A_285 : i32 to index
        %swap3A_324 = arith.index_cast %swap3A_322 : i32 to index
        %swap3A_325 = arith.constant 80 : index
        %swap3A_326 = tpu.vector_load %arg11[%swap3A_323, %swap3A_324, %swap3A_325] {strides = array<i32>} : memref<25x8x128xf32, #tpu.memory_space<vmem>>, vector<16xf32>,
        tpu.vector_store %arg11[%swap3A_323, %swap3A_324, %swap3A_325], %gather3A_294 {strides = array<i32>} : memref<25x8x128xf32, #tpu.memory_space<vmem>>, vector<16xf32>,
        %swap3A_327 = arith.constant 0 : i32
        %swap3A_328 = arith.index_cast %scan3A_285 : i32 to index
        %swap3A_329 = arith.index_cast %swap3A_327 : i32 to index
        %swap3A_330 = arith.constant 96 : index
        %swap3A_331 = tpu.vector_load %arg11[%swap3A_328, %swap3A_329, %swap3A_330] {strides = array<i32>} : memref<25x8x128xf32, #tpu.memory_space<vmem>>, vector<16xf32>,
        tpu.vector_store %arg11[%swap3A_328, %swap3A_329, %swap3A_330], %gather3A_295 {strides = array<i32>} : memref<25x8x128xf32, #tpu.memory_space<vmem>>, vector<16xf32>,
        %swap3A_332 = arith.constant 0 : i32
        %swap3A_333 = arith.index_cast %scan3A_285 : i32 to index
        %swap3A_334 = arith.index_cast %swap3A_332 : i32 to index
        %swap3A_335 = arith.constant 112 : index
        %swap3A_336 = tpu.vector_load %arg11[%swap3A_333, %swap3A_334, %swap3A_335] {strides = array<i32>} : memref<25x8x128xf32, #tpu.memory_space<vmem>>, vector<16xf32>,
        tpu.vector_store %arg11[%swap3A_333, %swap3A_334, %swap3A_335], %gather3A_296 {strides = array<i32>} : memref<25x8x128xf32, #tpu.memory_space<vmem>>, vector<16xf32>,
        %mul3A_337 = arith.constant 8 : i32
        %mul3A_338 = arith.muli %scan3A_285, %mul3A_337 : i32
        %add3A_339 = arith.constant 1 : i32
        %add3A_340 = arith.addi %mul3A_338, %add3A_339 : i32
        %broadcast_in_dim3A_341 = vector.broadcast %add3A_340 : i32 to vector<16xi32>
        %gather3A_342 = tpu.vector_load_idx %arg9[%add3A_3, %broadcast_in_dim3A_341] : memref<128x200xf32, #tpu.memory_space<vmem>>[vector<16xi32>, vector<16xi32>], vector<16xf32>,
        %gather3A_343 = tpu.vector_load_idx %arg9[%add3A_6, %broadcast_in_dim3A_341] : memref<128x200xf32, #tpu.memory_space<vmem>>[vector<16xi32>, vector<16xi32>], vector<16xf32>,
        %gather3A_344 = tpu.vector_load_idx %arg9[%add3A_9, %broadcast_in_dim3A_341] : memref<128x200xf32, #tpu.memory_space<vmem>>[vector<16xi32>, vector<16xi32>], vector<16xf32>,
        %gather3A_345 = tpu.vector_load_idx %arg9[%add3A_12, %broadcast_in_dim3A_341] : memref<128x200xf32, #tpu.memory_space<vmem>>[vector<16xi32>, vector<16xi32>], vector<16xf32>,
        %gather3A_346 = tpu.vector_load_idx %arg9[%add3A_15, %broadcast_in_dim3A_341] : memref<128x200xf32, #tpu.memory_space<vmem>>[vector<16xi32>, vector<16xi32>], vector<16xf32>,
        %gather3A_347 = tpu.vector_load_idx %arg9[%add3A_18, %broadcast_in_dim3A_341] : memref<128x200xf32, #tpu.memory_space<vmem>>[vector<16xi32>, vector<16xi32>], vector<16xf32>,
        %gather3A_348 = tpu.vector_load_idx %arg9[%add3A_21, %broadcast_in_dim3A_341] : memref<128x200xf32, #tpu.memory_space<vmem>>[vector<16xi32>, vector<16xi32>], vector<16xf32>,
        %gather3A_349 = tpu.vector_load_idx %arg9[%add3A_24, %broadcast_in_dim3A_341] : memref<128x200xf32, #tpu.memory_space<vmem>>[vector<16xi32>, vector<16xi32>], vector<16xf32>,
        %swap3A_350 = arith.constant 1 : i32
        %swap3A_351 = arith.index_cast %scan3A_285 : i32 to index
        %swap3A_352 = arith.index_cast %swap3A_350 : i32 to index
        %swap3A_353 = arith.constant 0 : index
        %swap3A_354 = tpu.vector_load %arg11[%swap3A_351, %swap3A_352, %swap3A_353] {strides = array<i32>} : memref<25x8x128xf32, #tpu.memory_space<vmem>>, vector<16xf32>,
        tpu.vector_store %arg11[%swap3A_351, %swap3A_352, %swap3A_353], %gather3A_342 {strides = array<i32>} : memref<25x8x128xf32, #tpu.memory_space<vmem>>, vector<16xf32>,
        %swap3A_355 = arith.constant 1 : i32
        %swap3A_356 = arith.index_cast %scan3A_285 : i32 to index
        %swap3A_357 = arith.index_cast %swap3A_355 : i32 to index
        %swap3A_358 = arith.constant 16 : index
        %swap3A_359 = tpu.vector_load %arg11[%swap3A_356, %swap3A_357, %swap3A_358] {strides = array<i32>} : memref<25x8x128xf32, #tpu.memory_space<vmem>>, vector<16xf32>,
        tpu.vector_store %arg11[%swap3A_356, %swap3A_357, %swap3A_358], %gather3A_343 {strides = array<i32>} : memref<25x8x128xf32, #tpu.memory_space<vmem>>, vector<16xf32>,
        %swap3A_360 = arith.constant 1 : i32
        %swap3A_361 = arith.index_cast %scan3A_285 : i32 to index
        %swap3A_362 = arith.index_cast %swap3A_360 : i32 to index
        %swap3A_363 = arith.constant 32 : index
        %swap3A_364 = tpu.vector_load %arg11[%swap3A_361, %swap3A_362, %swap3A_363] {strides = array<i32>} : memref<25x8x128xf32, #tpu.memory_space<vmem>>, vector<16xf32>,
        tpu.vector_store %arg11[%swap3A_361, %swap3A_362, %swap3A_363], %gather3A_344 {strides = array<i32>} : memref<25x8x128xf32, #tpu.memory_space<vmem>>, vector<16xf32>,
        %swap3A_365 = arith.constant 1 : i32
        %swap3A_366 = arith.index_cast %scan3A_285 : i32 to index
        %swap3A_367 = arith.index_cast %swap3A_365 : i32 to index
        %swap3A_368 = arith.constant 48 : index
        %swap3A_369 = tpu.vector_load %arg11[%swap3A_366, %swap3A_367, %swap3A_368] {strides = array<i32>} : memref<25x8x128xf32, #tpu.memory_space<vmem>>, vector<16xf32>,
        tpu.vector_store %arg11[%swap3A_366, %swap3A_367, %swap3A_368], %gather3A_345 {strides = array<i32>} : memref<25x8x128xf32, #tpu.memory_space<vmem>>, vector<16xf32>,
        %swap3A_370 = arith.constant 1 : i32
        %swap3A_371 = arith.index_cast %scan3A_285 : i32 to index
        %swap3A_372 = arith.index_cast %swap3A_370 : i32 to index
        %swap3A_373 = arith.constant 64 : index
        %swap3A_374 = tpu.vector_load %arg11[%swap3A_371, %swap3A_372, %swap3A_373] {strides = array<i32>} : memref<25x8x128xf32, #tpu.memory_space<vmem>>, vector<16xf32>,
        tpu.vector_store %arg11[%swap3A_371, %swap3A_372, %swap3A_373], %gather3A_346 {strides = array<i32>} : memref<25x8x128xf32, #tpu.memory_space<vmem>>, vector<16xf32>,
        %swap3A_375 = arith.constant 1 : i32
        %swap3A_376 = arith.index_cast %scan3A_285 : i32 to index
        %swap3A_377 = arith.index_cast %swap3A_375 : i32 to index
        %swap3A_378 = arith.constant 80 : index
        %swap3A_379 = tpu.vector_load %arg11[%swap3A_376, %swap3A_377, %swap3A_378] {strides = array<i32>} : memref<25x8x128xf32, #tpu.memory_space<vmem>>, vector<16xf32>,
        tpu.vector_store %arg11[%swap3A_376, %swap3A_377, %swap3A_378], %gather3A_347 {strides = array<i32>} : memref<25x8x128xf32, #tpu.memory_space<vmem>>, vector<16xf32>,
        %swap3A_380 = arith.constant 1 : i32
        %swap3A_381 = arith.index_cast %scan3A_285 : i32 to index
        %swap3A_382 = arith.index_cast %swap3A_380 : i32 to index
        %swap3A_383 = arith.constant 96 : index
        %swap3A_384 = tpu.vector_load %arg11[%swap3A_381, %swap3A_382, %swap3A_383] {strides = array<i32>} : memref<25x8x128xf32, #tpu.memory_space<vmem>>, vector<16xf32>,
        tpu.vector_store %arg11[%swap3A_381, %swap3A_382, %swap3A_383], %gather3A_348 {strides = array<i32>} : memref<25x8x128xf32, #tpu.memory_space<vmem>>, vector<16xf32>,
        %swap3A_385 = arith.constant 1 : i32
        %swap3A_386 = arith.index_cast %scan3A_285 : i32 to index
        %swap3A_387 = arith.index_cast %swap3A_385 : i32 to index
        %swap3A_388 = arith.constant 112 : index
        %swap3A_389 = tpu.vector_load %arg11[%swap3A_386, %swap3A_387, %swap3A_388] {strides = array<i32>} : memref<25x8x128xf32, #tpu.memory_space<vmem>>, vector<16xf32>,
        tpu.vector_store %arg11[%swap3A_386, %swap3A_387, %swap3A_388], %gather3A_349 {strides = array<i32>} : memref<25x8x128xf32, #tpu.memory_space<vmem>>, vector<16xf32>,
        %mul3A_390 = arith.constant 8 : i32
        %mul3A_391 = arith.muli %scan3A_285, %mul3A_390 : i32
        %add3A_392 = arith.constant 2 : i32
        %add3A_393 = arith.addi %mul3A_391, %add3A_392 : i32
        %broadcast_in_dim3A_394 = vector.broadcast %add3A_393 : i32 to vector<16xi32>
        %gather3A_395 = tpu.vector_load_idx %arg9[%add3A_3, %broadcast_in_dim3A_394] : memref<128x200xf32, #tpu.memory_space<vmem>>[vector<16xi32>, vector<16xi32>], vector<16xf32>,
        %gather3A_396 = tpu.vector_load_idx %arg9[%add3A_6, %broadcast_in_dim3A_394] : memref<128x200xf32, #tpu.memory_space<vmem>>[vector<16xi32>, vector<16xi32>], vector<16xf32>,
        %gather3A_397 = tpu.vector_load_idx %arg9[%add3A_9, %broadcast_in_dim3A_394] : memref<128x200xf32, #tpu.memory_space<vmem>>[vector<16xi32>, vector<16xi32>], vector<16xf32>,
        %gather3A_398 = tpu.vector_load_idx %arg9[%add3A_12, %broadcast_in_dim3A_394] : memref<128x200xf32, #tpu.memory_space<vmem>>[vector<16xi32>, vector<16xi32>], vector<16xf32>,
        %gather3A_399 = tpu.vector_load_idx %arg9[%add3A_15, %broadcast_in_dim3A_394] : memref<128x200xf32, #tpu.memory_space<vmem>>[vector<16xi32>, vector<16xi32>], vector<16xf32>,
        %gather3A_400 = tpu.vector_load_idx %arg9[%add3A_18, %broadcast_in_dim3A_394] : memref<128x200xf32, #tpu.memory_space<vmem>>[vector<16xi32>, vector<16xi32>], vector<16xf32>,
        %gather3A_401 = tpu.vector_load_idx %arg9[%add3A_21, %broadcast_in_dim3A_394] : memref<128x200xf32, #tpu.memory_space<vmem>>[vector<16xi32>, vector<16xi32>], vector<16xf32>,
        %gather3A_402 = tpu.vector_load_idx %arg9[%add3A_24, %broadcast_in_dim3A_394] : memref<128x200xf32, #tpu.memory_space<vmem>>[vector<16xi32>, vector<16xi32>], vector<16xf32>,
        %swap3A_403 = arith.constant 2 : i32
        %swap3A_404 = arith.index_cast %scan3A_285 : i32 to index
        %swap3A_405 = arith.index_cast %swap3A_403 : i32 to index
        %swap3A_406 = arith.constant 0 : index
        %swap3A_407 = tpu.vector_load %arg11[%swap3A_404, %swap3A_405, %swap3A_406] {strides = array<i32>} : memref<25x8x128xf32, #tpu.memory_space<vmem>>, vector<16xf32>,
        tpu.vector_store %arg11[%swap3A_404, %swap3A_405, %swap3A_406], %gather3A_395 {strides = array<i32>} : memref<25x8x128xf32, #tpu.memory_space<vmem>>, vector<16xf32>,
        %swap3A_408 = arith.constant 2 : i32
        %swap3A_409 = arith.index_cast %scan3A_285 : i32 to index
        %swap3A_410 = arith.index_cast %swap3A_408 : i32 to index
        %swap3A_411 = arith.constant 16 : index
        %swap3A_412 = tpu.vector_load %arg11[%swap3A_409, %swap3A_410, %swap3A_411] {strides = array<i32>} : memref<25x8x128xf32, #tpu.memory_space<vmem>>, vector<16xf32>,
        tpu.vector_store %arg11[%swap3A_409, %swap3A_410, %swap3A_411], %gather3A_396 {strides = array<i32>} : memref<25x8x128xf32, #tpu.memory_space<vmem>>, vector<16xf32>,
        %swap3A_413 = arith.constant 2 : i32
        %swap3A_414 = arith.index_cast %scan3A_285 : i32 to index
        %swap3A_415 = arith.index_cast %swap3A_413 : i32 to index
        %swap3A_416 = arith.constant 32 : index
        %swap3A_417 = tpu.vector_load %arg11[%swap3A_414, %swap3A_415, %swap3A_416] {strides = array<i32>} : memref<25x8x128xf32, #tpu.memory_space<vmem>>, vector<16xf32>,
        tpu.vector_store %arg11[%swap3A_414, %swap3A_415, %swap3A_416], %gather3A_397 {strides = array<i32>} : memref<25x8x128xf32, #tpu.memory_space<vmem>>, vector<16xf32>,
        %swap3A_418 = arith.constant 2 : i32
        %swap3A_419 = arith.index_cast %scan3A_285 : i32 to index
        %swap3A_420 = arith.index_cast %swap3A_418 : i32 to index
        %swap3A_421 = arith.constant 48 : index
        %swap3A_422 = tpu.vector_load %arg11[%swap3A_419, %swap3A_420, %swap3A_421] {strides = array<i32>} : memref<25x8x128xf32, #tpu.memory_space<vmem>>, vector<16xf32>,
        tpu.vector_store %arg11[%swap3A_419, %swap3A_420, %swap3A_421], %gather3A_398 {strides = array<i32>} : memref<25x8x128xf32, #tpu.memory_space<vmem>>, vector<16xf32>,
        %swap3A_423 = arith.constant 2 : i32
        %swap3A_424 = arith.index_cast %scan3A_285 : i32 to index
        %swap3A_425 = arith.index_cast %swap3A_423 : i32 to index
        %swap3A_426 = arith.constant 64 : index
        %swap3A_427 = tpu.vector_load %arg11[%swap3A_424, %swap3A_425, %swap3A_426] {strides = array<i32>} : memref<25x8x128xf32, #tpu.memory_space<vmem>>, vector<16xf32>,
        tpu.vector_store %arg11[%swap3A_424, %swap3A_425, %swap3A_426], %gather3A_399 {strides = array<i32>} : memref<25x8x128xf32, #tpu.memory_space<vmem>>, vector<16xf32>,
        %swap3A_428 = arith.constant 2 : i32
        %swap3A_429 = arith.index_cast %scan3A_285 : i32 to index
        %swap3A_430 = arith.index_cast %swap3A_428 : i32 to index
        %swap3A_431 = arith.constant 80 : index
        %swap3A_432 = tpu.vector_load %arg11[%swap3A_429, %swap3A_430, %swap3A_431] {strides = array<i32>} : memref<25x8x128xf32, #tpu.memory_space<vmem>>, vector<16xf32>,
        tpu.vector_store %arg11[%swap3A_429, %swap3A_430, %swap3A_431], %gather3A_400 {strides = array<i32>} : memref<25x8x128xf32, #tpu.memory_space<vmem>>, vector<16xf32>,
        %swap3A_433 = arith.constant 2 : i32
        %swap3A_434 = arith.index_cast %scan3A_285 : i32 to index
        %swap3A_435 = arith.index_cast %swap3A_433 : i32 to index
        %swap3A_436 = arith.constant 96 : index
        %swap3A_437 = tpu.vector_load %arg11[%swap3A_434, %swap3A_435, %swap3A_436] {strides = array<i32>} : memref<25x8x128xf32, #tpu.memory_space<vmem>>, vector<16xf32>,
        tpu.vector_store %arg11[%swap3A_434, %swap3A_435, %swap3A_436], %gather3A_401 {strides = array<i32>} : memref<25x8x128xf32, #tpu.memory_space<vmem>>, vector<16xf32>,
        %swap3A_438 = arith.constant 2 : i32
        %swap3A_439 = arith.index_cast %scan3A_285 : i32 to index
        %swap3A_440 = arith.index_cast %swap3A_438 : i32 to index
        %swap3A_441 = arith.constant 112 : index
        %swap3A_442 = tpu.vector_load %arg11[%swap3A_439, %swap3A_440, %swap3A_441] {strides = array<i32>} : memref<25x8x128xf32, #tpu.memory_space<vmem>>, vector<16xf32>,
        tpu.vector_store %arg11[%swap3A_439, %swap3A_440, %swap3A_441], %gather3A_402 {strides = array<i32>} : memref<25x8x128xf32, #tpu.memory_space<vmem>>, vector<16xf32>,
        %mul3A_443 = arith.constant 8 : i32
        %mul3A_444 = arith.muli %scan3A_285, %mul3A_443 : i32
        %add3A_445 = arith.constant 3 : i32
        %add3A_446 = arith.addi %mul3A_444, %add3A_445 : i32
        %broadcast_in_dim3A_447 = vector.broadcast %add3A_446 : i32 to vector<16xi32>
        %gather3A_448 = tpu.vector_load_idx %arg9[%add3A_3, %broadcast_in_dim3A_447] : memref<128x200xf32, #tpu.memory_space<vmem>>[vector<16xi32>, vector<16xi32>], vector<16xf32>,
        %gather3A_449 = tpu.vector_load_idx %arg9[%add3A_6, %broadcast_in_dim3A_447] : memref<128x200xf32, #tpu.memory_space<vmem>>[vector<16xi32>, vector<16xi32>], vector<16xf32>,
        %gather3A_450 = tpu.vector_load_idx %arg9[%add3A_9, %broadcast_in_dim3A_447] : memref<128x200xf32, #tpu.memory_space<vmem>>[vector<16xi32>, vector<16xi32>], vector<16xf32>,
        %gather3A_451 = tpu.vector_load_idx %arg9[%add3A_12, %broadcast_in_dim3A_447] : memref<128x200xf32, #tpu.memory_space<vmem>>[vector<16xi32>, vector<16xi32>], vector<16xf32>,
        %gather3A_452 = tpu.vector_load_idx %arg9[%add3A_15, %broadcast_in_dim3A_447] : memref<128x200xf32, #tpu.memory_space<vmem>>[vector<16xi32>, vector<16xi32>], vector<16xf32>,
        %gather3A_453 = tpu.vector_load_idx %arg9[%add3A_18, %broadcast_in_dim3A_447] : memref<128x200xf32, #tpu.memory_space<vmem>>[vector<16xi32>, vector<16xi32>], vector<16xf32>,
        %gather3A_454 = tpu.vector_load_idx %arg9[%add3A_21, %broadcast_in_dim3A_447] : memref<128x200xf32, #tpu.memory_space<vmem>>[vector<16xi32>, vector<16xi32>], vector<16xf32>,
        %gather3A_455 = tpu.vector_load_idx %arg9[%add3A_24, %broadcast_in_dim3A_447] : memref<128x200xf32, #tpu.memory_space<vmem>>[vector<16xi32>, vector<16xi32>], vector<16xf32>,
        %swap3A_456 = arith.constant 3 : i32
        %swap3A_457 = arith.index_cast %scan3A_285 : i32 to index
        %swap3A_458 = arith.index_cast %swap3A_456 : i32 to index
        %swap3A_459 = arith.constant 0 : index
        %swap3A_460 = tpu.vector_load %arg11[%swap3A_457, %swap3A_458, %swap3A_459] {strides = array<i32>} : memref<25x8x128xf32, #tpu.memory_space<vmem>>, vector<16xf32>,
        tpu.vector_store %arg11[%swap3A_457, %swap3A_458, %swap3A_459], %gather3A_448 {strides = array<i32>} : memref<25x8x128xf32, #tpu.memory_space<vmem>>, vector<16xf32>,
        %swap3A_461 = arith.constant 3 : i32
        %swap3A_462 = arith.index_cast %scan3A_285 : i32 to index
        %swap3A_463 = arith.index_cast %swap3A_461 : i32 to index
        %swap3A_464 = arith.constant 16 : index
        %swap3A_465 = tpu.vector_load %arg11[%swap3A_462, %swap3A_463, %swap3A_464] {strides = array<i32>} : memref<25x8x128xf32, #tpu.memory_space<vmem>>, vector<16xf32>,
        tpu.vector_store %arg11[%swap3A_462, %swap3A_463, %swap3A_464], %gather3A_449 {strides = array<i32>} : memref<25x8x128xf32, #tpu.memory_space<vmem>>, vector<16xf32>,
        %swap3A_466 = arith.constant 3 : i32
        %swap3A_467 = arith.index_cast %scan3A_285 : i32 to index
        %swap3A_468 = arith.index_cast %swap3A_466 : i32 to index
        %swap3A_469 = arith.constant 32 : index
        %swap3A_470 = tpu.vector_load %arg11[%swap3A_467, %swap3A_468, %swap3A_469] {strides = array<i32>} : memref<25x8x128xf32, #tpu.memory_space<vmem>>, vector<16xf32>,
        tpu.vector_store %arg11[%swap3A_467, %swap3A_468, %swap3A_469], %gather3A_450 {strides = array<i32>} : memref<25x8x128xf32, #tpu.memory_space<vmem>>, vector<16xf32>,
        %swap3A_471 = arith.constant 3 : i32
        %swap3A_472 = arith.index_cast %scan3A_285 : i32 to index
        %swap3A_473 = arith.index_cast %swap3A_471 : i32 to index
        %swap3A_474 = arith.constant 48 : index
        %swap3A_475 = tpu.vector_load %arg11[%swap3A_472, %swap3A_473, %swap3A_474] {strides = array<i32>} : memref<25x8x128xf32, #tpu.memory_space<vmem>>, vector<16xf32>,
        tpu.vector_store %arg11[%swap3A_472, %swap3A_473, %swap3A_474], %gather3A_451 {strides = array<i32>} : memref<25x8x128xf32, #tpu.memory_space<vmem>>, vector<16xf32>,
        %swap3A_476 = arith.constant 3 : i32
        %swap3A_477 = arith.index_cast %scan3A_285 : i32 to index
        %swap3A_478 = arith.index_cast %swap3A_476 : i32 to index
        %swap3A_479 = arith.constant 64 : index
        %swap3A_480 = tpu.vector_load %arg11[%swap3A_477, %swap3A_478, %swap3A_479] {strides = array<i32>} : memref<25x8x128xf32, #tpu.memory_space<vmem>>, vector<16xf32>,
        tpu.vector_store %arg11[%swap3A_477, %swap3A_478, %swap3A_479], %gather3A_452 {strides = array<i32>} : memref<25x8x128xf32, #tpu.memory_space<vmem>>, vector<16xf32>,
        %swap3A_481 = arith.constant 3 : i32
        %swap3A_482 = arith.index_cast %scan3A_285 : i32 to index
        %swap3A_483 = arith.index_cast %swap3A_481 : i32 to index
        %swap3A_484 = arith.constant 80 : index
        %swap3A_485 = tpu.vector_load %arg11[%swap3A_482, %swap3A_483, %swap3A_484] {strides = array<i32>} : memref<25x8x128xf32, #tpu.memory_space<vmem>>, vector<16xf32>,
        tpu.vector_store %arg11[%swap3A_482, %swap3A_483, %swap3A_484], %gather3A_453 {strides = array<i32>} : memref<25x8x128xf32, #tpu.memory_space<vmem>>, vector<16xf32>,
        %swap3A_486 = arith.constant 3 : i32
        %swap3A_487 = arith.index_cast %scan3A_285 : i32 to index
        %swap3A_488 = arith.index_cast %swap3A_486 : i32 to index
        %swap3A_489 = arith.constant 96 : index
        %swap3A_490 = tpu.vector_load %arg11[%swap3A_487, %swap3A_488, %swap3A_489] {strides = array<i32>} : memref<25x8x128xf32, #tpu.memory_space<vmem>>, vector<16xf32>,
        tpu.vector_store %arg11[%swap3A_487, %swap3A_488, %swap3A_489], %gather3A_454 {strides = array<i32>} : memref<25x8x128xf32, #tpu.memory_space<vmem>>, vector<16xf32>,
        %swap3A_491 = arith.constant 3 : i32
        %swap3A_492 = arith.index_cast %scan3A_285 : i32 to index
        %swap3A_493 = arith.index_cast %swap3A_491 : i32 to index
        %swap3A_494 = arith.constant 112 : index
        %swap3A_495 = tpu.vector_load %arg11[%swap3A_492, %swap3A_493, %swap3A_494] {strides = array<i32>} : memref<25x8x128xf32, #tpu.memory_space<vmem>>, vector<16xf32>,
        tpu.vector_store %arg11[%swap3A_492, %swap3A_493, %swap3A_494], %gather3A_455 {strides = array<i32>} : memref<25x8x128xf32, #tpu.memory_space<vmem>>, vector<16xf32>,
        %mul3A_496 = arith.constant 8 : i32
        %mul3A_497 = arith.muli %scan3A_285, %mul3A_496 : i32
        %add3A_498 = arith.constant 4 : i32
        %add3A_499 = arith.addi %mul3A_497, %add3A_498 : i32
        %broadcast_in_dim3A_500 = vector.broadcast %add3A_499 : i32 to vector<16xi32>
        %gather3A_501 = tpu.vector_load_idx %arg9[%add3A_3, %broadcast_in_dim3A_500] : memref<128x200xf32, #tpu.memory_space<vmem>>[vector<16xi32>, vector<16xi32>], vector<16xf32>,
        %gather3A_502 = tpu.vector_load_idx %arg9[%add3A_6, %broadcast_in_dim3A_500] : memref<128x200xf32, #tpu.memory_space<vmem>>[vector<16xi32>, vector<16xi32>], vector<16xf32>,
        %gather3A_503 = tpu.vector_load_idx %arg9[%add3A_9, %broadcast_in_dim3A_500] : memref<128x200xf32, #tpu.memory_space<vmem>>[vector<16xi32>, vector<16xi32>], vector<16xf32>,
        %gather3A_504 = tpu.vector_load_idx %arg9[%add3A_12, %broadcast_in_dim3A_500] : memref<128x200xf32, #tpu.memory_space<vmem>>[vector<16xi32>, vector<16xi32>], vector<16xf32>,
        %gather3A_505 = tpu.vector_load_idx %arg9[%add3A_15, %broadcast_in_dim3A_500] : memref<128x200xf32, #tpu.memory_space<vmem>>[vector<16xi32>, vector<16xi32>], vector<16xf32>,
        %gather3A_506 = tpu.vector_load_idx %arg9[%add3A_18, %broadcast_in_dim3A_500] : memref<128x200xf32, #tpu.memory_space<vmem>>[vector<16xi32>, vector<16xi32>], vector<16xf32>,
        %gather3A_507 = tpu.vector_load_idx %arg9[%add3A_21, %broadcast_in_dim3A_500] : memref<128x200xf32, #tpu.memory_space<vmem>>[vector<16xi32>, vector<16xi32>], vector<16xf32>,
        %gather3A_508 = tpu.vector_load_idx %arg9[%add3A_24, %broadcast_in_dim3A_500] : memref<128x200xf32, #tpu.memory_space<vmem>>[vector<16xi32>, vector<16xi32>], vector<16xf32>,
        %swap3A_509 = arith.constant 4 : i32
        %swap3A_510 = arith.index_cast %scan3A_285 : i32 to index
        %swap3A_511 = arith.index_cast %swap3A_509 : i32 to index
        %swap3A_512 = arith.constant 0 : index
        %swap3A_513 = tpu.vector_load %arg11[%swap3A_510, %swap3A_511, %swap3A_512] {strides = array<i32>} : memref<25x8x128xf32, #tpu.memory_space<vmem>>, vector<16xf32>,
        tpu.vector_store %arg11[%swap3A_510, %swap3A_511, %swap3A_512], %gather3A_501 {strides = array<i32>} : memref<25x8x128xf32, #tpu.memory_space<vmem>>, vector<16xf32>,
        %swap3A_514 = arith.constant 4 : i32
        %swap3A_515 = arith.index_cast %scan3A_285 : i32 to index
        %swap3A_516 = arith.index_cast %swap3A_514 : i32 to index
        %swap3A_517 = arith.constant 16 : index
        %swap3A_518 = tpu.vector_load %arg11[%swap3A_515, %swap3A_516, %swap3A_517] {strides = array<i32>} : memref<25x8x128xf32, #tpu.memory_space<vmem>>, vector<16xf32>,
        tpu.vector_store %arg11[%swap3A_515, %swap3A_516, %swap3A_517], %gather3A_502 {strides = array<i32>} : memref<25x8x128xf32, #tpu.memory_space<vmem>>, vector<16xf32>,
        %swap3A_519 = arith.constant 4 : i32
        %swap3A_520 = arith.index_cast %scan3A_285 : i32 to index
        %swap3A_521 = arith.index_cast %swap3A_519 : i32 to index
        %swap3A_522 = arith.constant 32 : index
        %swap3A_523 = tpu.vector_load %arg11[%swap3A_520, %swap3A_521, %swap3A_522] {strides = array<i32>} : memref<25x8x128xf32, #tpu.memory_space<vmem>>, vector<16xf32>,
        tpu.vector_store %arg11[%swap3A_520, %swap3A_521, %swap3A_522], %gather3A_503 {strides = array<i32>} : memref<25x8x128xf32, #tpu.memory_space<vmem>>, vector<16xf32>,
        %swap3A_524 = arith.constant 4 : i32
        %swap3A_525 = arith.index_cast %scan3A_285 : i32 to index
        %swap3A_526 = arith.index_cast %swap3A_524 : i32 to index
        %swap3A_527 = arith.constant 48 : index
        %swap3A_528 = tpu.vector_load %arg11[%swap3A_525, %swap3A_526, %swap3A_527] {strides = array<i32>} : memref<25x8x128xf32, #tpu.memory_space<vmem>>, vector<16xf32>,
        tpu.vector_store %arg11[%swap3A_525, %swap3A_526, %swap3A_527], %gather3A_504 {strides = array<i32>} : memref<25x8x128xf32, #tpu.memory_space<vmem>>, vector<16xf32>,
        %swap3A_529 = arith.constant 4 : i32
        %swap3A_530 = arith.index_cast %scan3A_285 : i32 to index
        %swap3A_531 = arith.index_cast %swap3A_529 : i32 to index
        %swap3A_532 = arith.constant 64 : index
        %swap3A_533 = tpu.vector_load %arg11[%swap3A_530, %swap3A_531, %swap3A_532] {strides = array<i32>} : memref<25x8x128xf32, #tpu.memory_space<vmem>>, vector<16xf32>,
        tpu.vector_store %arg11[%swap3A_530, %swap3A_531, %swap3A_532], %gather3A_505 {strides = array<i32>} : memref<25x8x128xf32, #tpu.memory_space<vmem>>, vector<16xf32>,
        %swap3A_534 = arith.constant 4 : i32
        %swap3A_535 = arith.index_cast %scan3A_285 : i32 to index
        %swap3A_536 = arith.index_cast %swap3A_534 : i32 to index
        %swap3A_537 = arith.constant 80 : index
        %swap3A_538 = tpu.vector_load %arg11[%swap3A_535, %swap3A_536, %swap3A_537] {strides = array<i32>} : memref<25x8x128xf32, #tpu.memory_space<vmem>>, vector<16xf32>,
        tpu.vector_store %arg11[%swap3A_535, %swap3A_536, %swap3A_537], %gather3A_506 {strides = array<i32>} : memref<25x8x128xf32, #tpu.memory_space<vmem>>, vector<16xf32>,
        %swap3A_539 = arith.constant 4 : i32
        %swap3A_540 = arith.index_cast %scan3A_285 : i32 to index
        %swap3A_541 = arith.index_cast %swap3A_539 : i32 to index
        %swap3A_542 = arith.constant 96 : index
        %swap3A_543 = tpu.vector_load %arg11[%swap3A_540, %swap3A_541, %swap3A_542] {strides = array<i32>} : memref<25x8x128xf32, #tpu.memory_space<vmem>>, vector<16xf32>,
        tpu.vector_store %arg11[%swap3A_540, %swap3A_541, %swap3A_542], %gather3A_507 {strides = array<i32>} : memref<25x8x128xf32, #tpu.memory_space<vmem>>, vector<16xf32>,
        %swap3A_544 = arith.constant 4 : i32
        %swap3A_545 = arith.index_cast %scan3A_285 : i32 to index
        %swap3A_546 = arith.index_cast %swap3A_544 : i32 to index
        %swap3A_547 = arith.constant 112 : index
        %swap3A_548 = tpu.vector_load %arg11[%swap3A_545, %swap3A_546, %swap3A_547] {strides = array<i32>} : memref<25x8x128xf32, #tpu.memory_space<vmem>>, vector<16xf32>,
        tpu.vector_store %arg11[%swap3A_545, %swap3A_546, %swap3A_547], %gather3A_508 {strides = array<i32>} : memref<25x8x128xf32, #tpu.memory_space<vmem>>, vector<16xf32>,
        %mul3A_549 = arith.constant 8 : i32
        %mul3A_550 = arith.muli %scan3A_285, %mul3A_549 : i32
        %add3A_551 = arith.constant 5 : i32
        %add3A_552 = arith.addi %mul3A_550, %add3A_551 : i32
        %broadcast_in_dim3A_553 = vector.broadcast %add3A_552 : i32 to vector<16xi32>
        %gather3A_554 = tpu.vector_load_idx %arg9[%add3A_3, %broadcast_in_dim3A_553] : memref<128x200xf32, #tpu.memory_space<vmem>>[vector<16xi32>, vector<16xi32>], vector<16xf32>,
        %gather3A_555 = tpu.vector_load_idx %arg9[%add3A_6, %broadcast_in_dim3A_553] : memref<128x200xf32, #tpu.memory_space<vmem>>[vector<16xi32>, vector<16xi32>], vector<16xf32>,
        %gather3A_556 = tpu.vector_load_idx %arg9[%add3A_9, %broadcast_in_dim3A_553] : memref<128x200xf32, #tpu.memory_space<vmem>>[vector<16xi32>, vector<16xi32>], vector<16xf32>,
        %gather3A_557 = tpu.vector_load_idx %arg9[%add3A_12, %broadcast_in_dim3A_553] : memref<128x200xf32, #tpu.memory_space<vmem>>[vector<16xi32>, vector<16xi32>], vector<16xf32>,
        %gather3A_558 = tpu.vector_load_idx %arg9[%add3A_15, %broadcast_in_dim3A_553] : memref<128x200xf32, #tpu.memory_space<vmem>>[vector<16xi32>, vector<16xi32>], vector<16xf32>,
        %gather3A_559 = tpu.vector_load_idx %arg9[%add3A_18, %broadcast_in_dim3A_553] : memref<128x200xf32, #tpu.memory_space<vmem>>[vector<16xi32>, vector<16xi32>], vector<16xf32>,
        %gather3A_560 = tpu.vector_load_idx %arg9[%add3A_21, %broadcast_in_dim3A_553] : memref<128x200xf32, #tpu.memory_space<vmem>>[vector<16xi32>, vector<16xi32>], vector<16xf32>,
        %gather3A_561 = tpu.vector_load_idx %arg9[%add3A_24, %broadcast_in_dim3A_553] : memref<128x200xf32, #tpu.memory_space<vmem>>[vector<16xi32>, vector<16xi32>], vector<16xf32>,
        %swap3A_562 = arith.constant 5 : i32
        %swap3A_563 = arith.index_cast %scan3A_285 : i32 to index
        %swap3A_564 = arith.index_cast %swap3A_562 : i32 to index
        %swap3A_565 = arith.constant 0 : index
        %swap3A_566 = tpu.vector_load %arg11[%swap3A_563, %swap3A_564, %swap3A_565] {strides = array<i32>} : memref<25x8x128xf32, #tpu.memory_space<vmem>>, vector<16xf32>,
        tpu.vector_store %arg11[%swap3A_563, %swap3A_564, %swap3A_565], %gather3A_554 {strides = array<i32>} : memref<25x8x128xf32, #tpu.memory_space<vmem>>, vector<16xf32>,
        %swap3A_567 = arith.constant 5 : i32
        %swap3A_568 = arith.index_cast %scan3A_285 : i32 to index
        %swap3A_569 = arith.index_cast %swap3A_567 : i32 to index
        %swap3A_570 = arith.constant 16 : index
        %swap3A_571 = tpu.vector_load %arg11[%swap3A_568, %swap3A_569, %swap3A_570] {strides = array<i32>} : memref<25x8x128xf32, #tpu.memory_space<vmem>>, vector<16xf32>,
        tpu.vector_store %arg11[%swap3A_568, %swap3A_569, %swap3A_570], %gather3A_555 {strides = array<i32>} : memref<25x8x128xf32, #tpu.memory_space<vmem>>, vector<16xf32>,
        %swap3A_572 = arith.constant 5 : i32
        %swap3A_573 = arith.index_cast %scan3A_285 : i32 to index
        %swap3A_574 = arith.index_cast %swap3A_572 : i32 to index
        %swap3A_575 = arith.constant 32 : index
        %swap3A_576 = tpu.vector_load %arg11[%swap3A_573, %swap3A_574, %swap3A_575] {strides = array<i32>} : memref<25x8x128xf32, #tpu.memory_space<vmem>>, vector<16xf32>,
        tpu.vector_store %arg11[%swap3A_573, %swap3A_574, %swap3A_575], %gather3A_556 {strides = array<i32>} : memref<25x8x128xf32, #tpu.memory_space<vmem>>, vector<16xf32>,
        %swap3A_577 = arith.constant 5 : i32
        %swap3A_578 = arith.index_cast %scan3A_285 : i32 to index
        %swap3A_579 = arith.index_cast %swap3A_577 : i32 to index
        %swap3A_580 = arith.constant 48 : index
        %swap3A_581 = tpu.vector_load %arg11[%swap3A_578, %swap3A_579, %swap3A_580] {strides = array<i32>} : memref<25x8x128xf32, #tpu.memory_space<vmem>>, vector<16xf32>,
        tpu.vector_store %arg11[%swap3A_578, %swap3A_579, %swap3A_580], %gather3A_557 {strides = array<i32>} : memref<25x8x128xf32, #tpu.memory_space<vmem>>, vector<16xf32>,
        %swap3A_582 = arith.constant 5 : i32
        %swap3A_583 = arith.index_cast %scan3A_285 : i32 to index
        %swap3A_584 = arith.index_cast %swap3A_582 : i32 to index
        %swap3A_585 = arith.constant 64 : index
        %swap3A_586 = tpu.vector_load %arg11[%swap3A_583, %swap3A_584, %swap3A_585] {strides = array<i32>} : memref<25x8x128xf32, #tpu.memory_space<vmem>>, vector<16xf32>,
        tpu.vector_store %arg11[%swap3A_583, %swap3A_584, %swap3A_585], %gather3A_558 {strides = array<i32>} : memref<25x8x128xf32, #tpu.memory_space<vmem>>, vector<16xf32>,
        %swap3A_587 = arith.constant 5 : i32
        %swap3A_588 = arith.index_cast %scan3A_285 : i32 to index
        %swap3A_589 = arith.index_cast %swap3A_587 : i32 to index
        %swap3A_590 = arith.constant 80 : index
        %swap3A_591 = tpu.vector_load %arg11[%swap3A_588, %swap3A_589, %swap3A_590] {strides = array<i32>} : memref<25x8x128xf32, #tpu.memory_space<vmem>>, vector<16xf32>,
        tpu.vector_store %arg11[%swap3A_588, %swap3A_589, %swap3A_590], %gather3A_559 {strides = array<i32>} : memref<25x8x128xf32, #tpu.memory_space<vmem>>, vector<16xf32>,
        %swap3A_592 = arith.constant 5 : i32
        %swap3A_593 = arith.index_cast %scan3A_285 : i32 to index
        %swap3A_594 = arith.index_cast %swap3A_592 : i32 to index
        %swap3A_595 = arith.constant 96 : index
        %swap3A_596 = tpu.vector_load %arg11[%swap3A_593, %swap3A_594, %swap3A_595] {strides = array<i32>} : memref<25x8x128xf32, #tpu.memory_space<vmem>>, vector<16xf32>,
        tpu.vector_store %arg11[%swap3A_593, %swap3A_594, %swap3A_595], %gather3A_560 {strides = array<i32>} : memref<25x8x128xf32, #tpu.memory_space<vmem>>, vector<16xf32>,
        %swap3A_597 = arith.constant 5 : i32
        %swap3A_598 = arith.index_cast %scan3A_285 : i32 to index
        %swap3A_599 = arith.index_cast %swap3A_597 : i32 to index
        %swap3A_600 = arith.constant 112 : index
        %swap3A_601 = tpu.vector_load %arg11[%swap3A_598, %swap3A_599, %swap3A_600] {strides = array<i32>} : memref<25x8x128xf32, #tpu.memory_space<vmem>>, vector<16xf32>,
        tpu.vector_store %arg11[%swap3A_598, %swap3A_599, %swap3A_600], %gather3A_561 {strides = array<i32>} : memref<25x8x128xf32, #tpu.memory_space<vmem>>, vector<16xf32>,
        %mul3A_602 = arith.constant 8 : i32
        %mul3A_603 = arith.muli %scan3A_285, %mul3A_602 : i32
        %add3A_604 = arith.constant 6 : i32
        %add3A_605 = arith.addi %mul3A_603, %add3A_604 : i32
        %broadcast_in_dim3A_606 = vector.broadcast %add3A_605 : i32 to vector<16xi32>
        %gather3A_607 = tpu.vector_load_idx %arg9[%add3A_3, %broadcast_in_dim3A_606] : memref<128x200xf32, #tpu.memory_space<vmem>>[vector<16xi32>, vector<16xi32>], vector<16xf32>,
        %gather3A_608 = tpu.vector_load_idx %arg9[%add3A_6, %broadcast_in_dim3A_606] : memref<128x200xf32, #tpu.memory_space<vmem>>[vector<16xi32>, vector<16xi32>], vector<16xf32>,
        %gather3A_609 = tpu.vector_load_idx %arg9[%add3A_9, %broadcast_in_dim3A_606] : memref<128x200xf32, #tpu.memory_space<vmem>>[vector<16xi32>, vector<16xi32>], vector<16xf32>,
        %gather3A_610 = tpu.vector_load_idx %arg9[%add3A_12, %broadcast_in_dim3A_606] : memref<128x200xf32, #tpu.memory_space<vmem>>[vector<16xi32>, vector<16xi32>], vector<16xf32>,
        %gather3A_611 = tpu.vector_load_idx %arg9[%add3A_15, %broadcast_in_dim3A_606] : memref<128x200xf32, #tpu.memory_space<vmem>>[vector<16xi32>, vector<16xi32>], vector<16xf32>,
        %gather3A_612 = tpu.vector_load_idx %arg9[%add3A_18, %broadcast_in_dim3A_606] : memref<128x200xf32, #tpu.memory_space<vmem>>[vector<16xi32>, vector<16xi32>], vector<16xf32>,
        %gather3A_613 = tpu.vector_load_idx %arg9[%add3A_21, %broadcast_in_dim3A_606] : memref<128x200xf32, #tpu.memory_space<vmem>>[vector<16xi32>, vector<16xi32>], vector<16xf32>,
        %gather3A_614 = tpu.vector_load_idx %arg9[%add3A_24, %broadcast_in_dim3A_606] : memref<128x200xf32, #tpu.memory_space<vmem>>[vector<16xi32>, vector<16xi32>], vector<16xf32>,
        %swap3A_615 = arith.constant 6 : i32
        %swap3A_616 = arith.index_cast %scan3A_285 : i32 to index
        %swap3A_617 = arith.index_cast %swap3A_615 : i32 to index
        %swap3A_618 = arith.constant 0 : index
        %swap3A_619 = tpu.vector_load %arg11[%swap3A_616, %swap3A_617, %swap3A_618] {strides = array<i32>} : memref<25x8x128xf32, #tpu.memory_space<vmem>>, vector<16xf32>,
        tpu.vector_store %arg11[%swap3A_616, %swap3A_617, %swap3A_618], %gather3A_607 {strides = array<i32>} : memref<25x8x128xf32, #tpu.memory_space<vmem>>, vector<16xf32>,
        %swap3A_620 = arith.constant 6 : i32
        %swap3A_621 = arith.index_cast %scan3A_285 : i32 to index
        %swap3A_622 = arith.index_cast %swap3A_620 : i32 to index
        %swap3A_623 = arith.constant 16 : index
        %swap3A_624 = tpu.vector_load %arg11[%swap3A_621, %swap3A_622, %swap3A_623] {strides = array<i32>} : memref<25x8x128xf32, #tpu.memory_space<vmem>>, vector<16xf32>,
        tpu.vector_store %arg11[%swap3A_621, %swap3A_622, %swap3A_623], %gather3A_608 {strides = array<i32>} : memref<25x8x128xf32, #tpu.memory_space<vmem>>, vector<16xf32>,
        %swap3A_625 = arith.constant 6 : i32
        %swap3A_626 = arith.index_cast %scan3A_285 : i32 to index
        %swap3A_627 = arith.index_cast %swap3A_625 : i32 to index
        %swap3A_628 = arith.constant 32 : index
        %swap3A_629 = tpu.vector_load %arg11[%swap3A_626, %swap3A_627, %swap3A_628] {strides = array<i32>} : memref<25x8x128xf32, #tpu.memory_space<vmem>>, vector<16xf32>,
        tpu.vector_store %arg11[%swap3A_626, %swap3A_627, %swap3A_628], %gather3A_609 {strides = array<i32>} : memref<25x8x128xf32, #tpu.memory_space<vmem>>, vector<16xf32>,
        %swap3A_630 = arith.constant 6 : i32
        %swap3A_631 = arith.index_cast %scan3A_285 : i32 to index
        %swap3A_632 = arith.index_cast %swap3A_630 : i32 to index
        %swap3A_633 = arith.constant 48 : index
        %swap3A_634 = tpu.vector_load %arg11[%swap3A_631, %swap3A_632, %swap3A_633] {strides = array<i32>} : memref<25x8x128xf32, #tpu.memory_space<vmem>>, vector<16xf32>,
        tpu.vector_store %arg11[%swap3A_631, %swap3A_632, %swap3A_633], %gather3A_610 {strides = array<i32>} : memref<25x8x128xf32, #tpu.memory_space<vmem>>, vector<16xf32>,
        %swap3A_635 = arith.constant 6 : i32
        %swap3A_636 = arith.index_cast %scan3A_285 : i32 to index
        %swap3A_637 = arith.index_cast %swap3A_635 : i32 to index
        %swap3A_638 = arith.constant 64 : index
        %swap3A_639 = tpu.vector_load %arg11[%swap3A_636, %swap3A_637, %swap3A_638] {strides = array<i32>} : memref<25x8x128xf32, #tpu.memory_space<vmem>>, vector<16xf32>,
        tpu.vector_store %arg11[%swap3A_636, %swap3A_637, %swap3A_638], %gather3A_611 {strides = array<i32>} : memref<25x8x128xf32, #tpu.memory_space<vmem>>, vector<16xf32>,
        %swap3A_640 = arith.constant 6 : i32
        %swap3A_641 = arith.index_cast %scan3A_285 : i32 to index
        %swap3A_642 = arith.index_cast %swap3A_640 : i32 to index
        %swap3A_643 = arith.constant 80 : index
        %swap3A_644 = tpu.vector_load %arg11[%swap3A_641, %swap3A_642, %swap3A_643] {strides = array<i32>} : memref<25x8x128xf32, #tpu.memory_space<vmem>>, vector<16xf32>,
        tpu.vector_store %arg11[%swap3A_641, %swap3A_642, %swap3A_643], %gather3A_612 {strides = array<i32>} : memref<25x8x128xf32, #tpu.memory_space<vmem>>, vector<16xf32>,
        %swap3A_645 = arith.constant 6 : i32
        %swap3A_646 = arith.index_cast %scan3A_285 : i32 to index
        %swap3A_647 = arith.index_cast %swap3A_645 : i32 to index
        %swap3A_648 = arith.constant 96 : index
        %swap3A_649 = tpu.vector_load %arg11[%swap3A_646, %swap3A_647, %swap3A_648] {strides = array<i32>} : memref<25x8x128xf32, #tpu.memory_space<vmem>>, vector<16xf32>,
        tpu.vector_store %arg11[%swap3A_646, %swap3A_647, %swap3A_648], %gather3A_613 {strides = array<i32>} : memref<25x8x128xf32, #tpu.memory_space<vmem>>, vector<16xf32>,
        %swap3A_650 = arith.constant 6 : i32
        %swap3A_651 = arith.index_cast %scan3A_285 : i32 to index
        %swap3A_652 = arith.index_cast %swap3A_650 : i32 to index
        %swap3A_653 = arith.constant 112 : index
        %swap3A_654 = tpu.vector_load %arg11[%swap3A_651, %swap3A_652, %swap3A_653] {strides = array<i32>} : memref<25x8x128xf32, #tpu.memory_space<vmem>>, vector<16xf32>,
        tpu.vector_store %arg11[%swap3A_651, %swap3A_652, %swap3A_653], %gather3A_614 {strides = array<i32>} : memref<25x8x128xf32, #tpu.memory_space<vmem>>, vector<16xf32>,
        %mul3A_655 = arith.constant 8 : i32
        %mul3A_656 = arith.muli %scan3A_285, %mul3A_655 : i32
        %add3A_657 = arith.constant 7 : i32
        %add3A_658 = arith.addi %mul3A_656, %add3A_657 : i32
        %broadcast_in_dim3A_659 = vector.broadcast %add3A_658 : i32 to vector<16xi32>
        %gather3A_660 = tpu.vector_load_idx %arg9[%add3A_3, %broadcast_in_dim3A_659] : memref<128x200xf32, #tpu.memory_space<vmem>>[vector<16xi32>, vector<16xi32>], vector<16xf32>,
        %gather3A_661 = tpu.vector_load_idx %arg9[%add3A_6, %broadcast_in_dim3A_659] : memref<128x200xf32, #tpu.memory_space<vmem>>[vector<16xi32>, vector<16xi32>], vector<16xf32>,
        %gather3A_662 = tpu.vector_load_idx %arg9[%add3A_9, %broadcast_in_dim3A_659] : memref<128x200xf32, #tpu.memory_space<vmem>>[vector<16xi32>, vector<16xi32>], vector<16xf32>,
        %gather3A_663 = tpu.vector_load_idx %arg9[%add3A_12, %broadcast_in_dim3A_659] : memref<128x200xf32, #tpu.memory_space<vmem>>[vector<16xi32>, vector<16xi32>], vector<16xf32>,
        %gather3A_664 = tpu.vector_load_idx %arg9[%add3A_15, %broadcast_in_dim3A_659] : memref<128x200xf32, #tpu.memory_space<vmem>>[vector<16xi32>, vector<16xi32>], vector<16xf32>,
        %gather3A_665 = tpu.vector_load_idx %arg9[%add3A_18, %broadcast_in_dim3A_659] : memref<128x200xf32, #tpu.memory_space<vmem>>[vector<16xi32>, vector<16xi32>], vector<16xf32>,
        %gather3A_666 = tpu.vector_load_idx %arg9[%add3A_21, %broadcast_in_dim3A_659] : memref<128x200xf32, #tpu.memory_space<vmem>>[vector<16xi32>, vector<16xi32>], vector<16xf32>,
        %gather3A_667 = tpu.vector_load_idx %arg9[%add3A_24, %broadcast_in_dim3A_659] : memref<128x200xf32, #tpu.memory_space<vmem>>[vector<16xi32>, vector<16xi32>], vector<16xf32>,
        %swap3A_668 = arith.constant 7 : i32
        %swap3A_669 = arith.index_cast %scan3A_285 : i32 to index
        %swap3A_670 = arith.index_cast %swap3A_668 : i32 to index
        %swap3A_671 = arith.constant 0 : index
        %swap3A_672 = tpu.vector_load %arg11[%swap3A_669, %swap3A_670, %swap3A_671] {strides = array<i32>} : memref<25x8x128xf32, #tpu.memory_space<vmem>>, vector<16xf32>,
        tpu.vector_store %arg11[%swap3A_669, %swap3A_670, %swap3A_671], %gather3A_660 {strides = array<i32>} : memref<25x8x128xf32, #tpu.memory_space<vmem>>, vector<16xf32>,
        %swap3A_673 = arith.constant 7 : i32
        %swap3A_674 = arith.index_cast %scan3A_285 : i32 to index
        %swap3A_675 = arith.index_cast %swap3A_673 : i32 to index
        %swap3A_676 = arith.constant 16 : index
        %swap3A_677 = tpu.vector_load %arg11[%swap3A_674, %swap3A_675, %swap3A_676] {strides = array<i32>} : memref<25x8x128xf32, #tpu.memory_space<vmem>>, vector<16xf32>,
        tpu.vector_store %arg11[%swap3A_674, %swap3A_675, %swap3A_676], %gather3A_661 {strides = array<i32>} : memref<25x8x128xf32, #tpu.memory_space<vmem>>, vector<16xf32>,
        %swap3A_678 = arith.constant 7 : i32
        %swap3A_679 = arith.index_cast %scan3A_285 : i32 to index
        %swap3A_680 = arith.index_cast %swap3A_678 : i32 to index
        %swap3A_681 = arith.constant 32 : index
        %swap3A_682 = tpu.vector_load %arg11[%swap3A_679, %swap3A_680, %swap3A_681] {strides = array<i32>} : memref<25x8x128xf32, #tpu.memory_space<vmem>>, vector<16xf32>,
        tpu.vector_store %arg11[%swap3A_679, %swap3A_680, %swap3A_681], %gather3A_662 {strides = array<i32>} : memref<25x8x128xf32, #tpu.memory_space<vmem>>, vector<16xf32>,
        %swap3A_683 = arith.constant 7 : i32
        %swap3A_684 = arith.index_cast %scan3A_285 : i32 to index
        %swap3A_685 = arith.index_cast %swap3A_683 : i32 to index
        %swap3A_686 = arith.constant 48 : index
        %swap3A_687 = tpu.vector_load %arg11[%swap3A_684, %swap3A_685, %swap3A_686] {strides = array<i32>} : memref<25x8x128xf32, #tpu.memory_space<vmem>>, vector<16xf32>,
        tpu.vector_store %arg11[%swap3A_684, %swap3A_685, %swap3A_686], %gather3A_663 {strides = array<i32>} : memref<25x8x128xf32, #tpu.memory_space<vmem>>, vector<16xf32>,
        %swap3A_688 = arith.constant 7 : i32
        %swap3A_689 = arith.index_cast %scan3A_285 : i32 to index
        %swap3A_690 = arith.index_cast %swap3A_688 : i32 to index
        %swap3A_691 = arith.constant 64 : index
        %swap3A_692 = tpu.vector_load %arg11[%swap3A_689, %swap3A_690, %swap3A_691] {strides = array<i32>} : memref<25x8x128xf32, #tpu.memory_space<vmem>>, vector<16xf32>,
        tpu.vector_store %arg11[%swap3A_689, %swap3A_690, %swap3A_691], %gather3A_664 {strides = array<i32>} : memref<25x8x128xf32, #tpu.memory_space<vmem>>, vector<16xf32>,
        %swap3A_693 = arith.constant 7 : i32
        %swap3A_694 = arith.index_cast %scan3A_285 : i32 to index
        %swap3A_695 = arith.index_cast %swap3A_693 : i32 to index
        %swap3A_696 = arith.constant 80 : index
        %swap3A_697 = tpu.vector_load %arg11[%swap3A_694, %swap3A_695, %swap3A_696] {strides = array<i32>} : memref<25x8x128xf32, #tpu.memory_space<vmem>>, vector<16xf32>,
        tpu.vector_store %arg11[%swap3A_694, %swap3A_695, %swap3A_696], %gather3A_665 {strides = array<i32>} : memref<25x8x128xf32, #tpu.memory_space<vmem>>, vector<16xf32>,
        %swap3A_698 = arith.constant 7 : i32
        %swap3A_699 = arith.index_cast %scan3A_285 : i32 to index
        %swap3A_700 = arith.index_cast %swap3A_698 : i32 to index
        %swap3A_701 = arith.constant 96 : index
        %swap3A_702 = tpu.vector_load %arg11[%swap3A_699, %swap3A_700, %swap3A_701] {strides = array<i32>} : memref<25x8x128xf32, #tpu.memory_space<vmem>>, vector<16xf32>,
        tpu.vector_store %arg11[%swap3A_699, %swap3A_700, %swap3A_701], %gather3A_666 {strides = array<i32>} : memref<25x8x128xf32, #tpu.memory_space<vmem>>, vector<16xf32>,
        %swap3A_703 = arith.constant 7 : i32
        %swap3A_704 = arith.index_cast %scan3A_285 : i32 to index
        %swap3A_705 = arith.index_cast %swap3A_703 : i32 to index
        %swap3A_706 = arith.constant 112 : index
        %swap3A_707 = tpu.vector_load %arg11[%swap3A_704, %swap3A_705, %swap3A_706] {strides = array<i32>} : memref<25x8x128xf32, #tpu.memory_space<vmem>>, vector<16xf32>,
        tpu.vector_store %arg11[%swap3A_704, %swap3A_705, %swap3A_706], %gather3A_667 {strides = array<i32>} : memref<25x8x128xf32, #tpu.memory_space<vmem>>, vector<16xf32>,
      }
      %scan3A_234 = arith.constant 25 : i32
      %jit3A_235 = arith.constant 5 : i32
      %div3A_236 = arith.divsi %add3A_213, %jit3A_235 : i32
      %sign3A_237 = arith.constant 0 : i32
      %sign3A_238 = arith.cmpi sgt, %add3A_213, %sign3A_237 : i32
      %sign3A_239 = arith.extui %sign3A_238 : i1 to i32
      %sign3A_240 = arith.constant 0 : i32
      %sign3A_241 = arith.cmpi slt, %add3A_213, %sign3A_240 : i32
      %sign3A_242 = arith.extui %sign3A_241 : i1 to i32
      %sign3A_243 = arith.subi %sign3A_239, %sign3A_242 : i32
      %sign3A_244 = arith.constant 0 : i32
      %sign3A_245 = arith.cmpi sgt, %jit3A_235, %sign3A_244 : i32
      %sign3A_246 = arith.extui %sign3A_245 : i1 to i32
      %sign3A_247 = arith.constant 0 : i32
      %sign3A_248 = arith.cmpi slt, %jit3A_235, %sign3A_247 : i32
      %sign3A_249 = arith.extui %sign3A_248 : i1 to i32
      %sign3A_250 = arith.subi %sign3A_246, %sign3A_249 : i32
      %ne3A_251 = arith.cmpi ne, %sign3A_243, %sign3A_250 : i32
      %rem3A_252 = arith.remsi %add3A_213, %jit3A_235 : i32
      %ne3A_253 = arith.constant 0 : i32
      %ne3A_254 = arith.cmpi ne, %rem3A_252, %ne3A_253 : i32
      %and3A_255 = arith.andi %ne3A_251, %ne3A_254 : i1
      %sub3A_256 = arith.constant 1 : i32
      %sub3A_257 = arith.subi %div3A_236, %sub3A_256 : i32
      %select_n3A_258 = arith.select %and3A_255, %sub3A_257, %div3A_236 : i32
      %jit3A_259 = arith.constant 5 : i32
      %eq3A_260 = arith.constant 0 : i32
      %eq3A_261 = arith.cmpi eq, %jit3A_259, %eq3A_260 : i32
      %jit3A_262 = arith.constant 1 : i32
      %select_n3A_263 = arith.select %eq3A_261, %jit3A_262, %jit3A_259 : i32
      %rem3A_264 = arith.remsi %add3A_213, %select_n3A_263 : i32
      %ne3A_265 = arith.constant 0 : i32
      %ne3A_266 = arith.cmpi ne, %rem3A_264, %ne3A_265 : i32
      %lt3A_267 = arith.constant 0 : i32
      %lt3A_268 = arith.cmpi slt, %rem3A_264, %lt3A_267 : i32
      %lt3A_269 = arith.constant 0 : i32
      %lt3A_270 = arith.cmpi slt, %select_n3A_263, %lt3A_269 : i32
      %ne3A_271 = arith.xori %lt3A_268, %lt3A_270 : i1
      %and3A_272 = arith.andi %ne3A_271, %ne3A_266 : i1
      %add3A_273 = arith.addi %rem3A_264, %select_n3A_263 : i32
      %select_n3A_274 = arith.select %and3A_272, %add3A_273, %rem3A_264 : i32
      %mul3A_275 = arith.constant 25 : i32
      %mul3A_276 = arith.muli %select_n3A_274, %mul3A_275 : i32
      %dma_start3A_277 = arith.constant 0 : i32
      %dma_start3A_278 = arith.constant 0 : i32
      %dma_start3A_279 = tpu.memref_slice %arg4[%select_n3A_258, %mul3A_276, %add3A, %dma_start3A_277, %dma_start3A_278] : memref<50x125x32x8x128xf32, #tpu.memory_space<hbm>> -> memref<1x25x1x8x128xf32, #tpu.memory_space<hbm>>
      %dma_start3A_280 = tpu.memref_squeeze %dma_start3A_279 : memref<1x25x1x8x128xf32, #tpu.memory_space<hbm>> -> memref<25x8x128xf32, #tpu.memory_space<hbm>>
      %dma_start3A_281 = arith.constant 0 : i32
      %dma_start3A_282 = arith.constant 0 : i32
      %dma_start3A_283 = tpu.memref_slice %arg4[%select_n3A_258, %mul3A_276, %add3A, %dma_start3A_281, %dma_start3A_282] : memref<50x125x32x8x128xf32, #tpu.memory_space<hbm>> -> memref<1x25x1x8x128xf32, #tpu.memory_space<hbm>>
      %dma_start3A_284 = tpu.memref_squeeze %dma_start3A_283 : memref<1x25x1x8x128xf32, #tpu.memory_space<hbm>> -> memref<25x8x128xf32, #tpu.memory_space<hbm>>
      tpu.enqueue_dma source(%arg11 : memref<25x8x128xf32, #tpu.memory_space<vmem>>) target(%dma_start3A_284 : memref<25x8x128xf32, #tpu.memory_space<hbm>>) target_semaphore(%arg15 : memref<!tpu.dma_semaphore, #tpu.memory_space<semaphore_mem>>)
    }
    %scan3A_125 = arith.constant 125 : i32
    %dma_wait3A = arith.constant 49 : i32
    %dma_wait3A_126 = arith.constant 75 : i32
    %dma_wait3A_127 = arith.constant 0 : i32
    %dma_wait3A_128 = arith.constant 0 : i32
    %dma_wait3A_129 = tpu.memref_slice %arg4[%dma_wait3A, %dma_wait3A_126, %add3A, %dma_wait3A_127, %dma_wait3A_128] : memref<50x125x32x8x128xf32, #tpu.memory_space<hbm>> -> memref<1x25x1x8x128xf32, #tpu.memory_space<hbm>>
    %dma_wait3A_130 = tpu.memref_squeeze %dma_wait3A_129 : memref<1x25x1x8x128xf32, #tpu.memory_space<hbm>> -> memref<25x8x128xf32, #tpu.memory_space<hbm>>
    %dma_wait3A_131 = arith.constant 75 : i32
    %dma_wait3A_132 = arith.constant 0 : i32
    %dma_wait3A_133 = arith.constant 0 : i32
    %dma_wait3A_134 = tpu.memref_slice %arg4[%dma_wait3A, %dma_wait3A_131, %add3A, %dma_wait3A_132, %dma_wait3A_133] : memref<50x125x32x8x128xf32, #tpu.memory_space<hbm>> -> memref<1x25x1x8x128xf32, #tpu.memory_space<hbm>>
    %dma_wait3A_135 = tpu.memref_squeeze %dma_wait3A_134 : memref<1x25x1x8x128xf32, #tpu.memory_space<hbm>> -> memref<25x8x128xf32, #tpu.memory_space<hbm>>
    tpu.wait_dma2 semaphore(%arg14 : memref<!tpu.dma_semaphore, #tpu.memory_space<semaphore_mem>>) src(%arg10 : memref<25x8x128xf32, #tpu.memory_space<vmem>>) dst(%dma_wait3A_135 : memref<25x8x128xf32, #tpu.memory_space<hbm>>)
    %dma_wait3A_136 = arith.constant 49 : i32
    %dma_wait3A_137 = arith.constant 100 : i32
    %dma_wait3A_138 = arith.constant 0 : i32
    %dma_wait3A_139 = arith.constant 0 : i32
    %dma_wait3A_140 = tpu.memref_slice %arg4[%dma_wait3A_136, %dma_wait3A_137, %add3A, %dma_wait3A_138, %dma_wait3A_139] : memref<50x125x32x8x128xf32, #tpu.memory_space<hbm>> -> memref<1x25x1x8x128xf32, #tpu.memory_space<hbm>>
    %dma_wait3A_141 = tpu.memref_squeeze %dma_wait3A_140 : memref<1x25x1x8x128xf32, #tpu.memory_space<hbm>> -> memref<25x8x128xf32, #tpu.memory_space<hbm>>
    %dma_wait3A_142 = arith.constant 100 : i32
    %dma_wait3A_143 = arith.constant 0 : i32
    %dma_wait3A_144 = arith.constant 0 : i32
    %dma_wait3A_145 = tpu.memref_slice %arg4[%dma_wait3A_136, %dma_wait3A_142, %add3A, %dma_wait3A_143, %dma_wait3A_144] : memref<50x125x32x8x128xf32, #tpu.memory_space<hbm>> -> memref<1x25x1x8x128xf32, #tpu.memory_space<hbm>>
    %dma_wait3A_146 = tpu.memref_squeeze %dma_wait3A_145 : memref<1x25x1x8x128xf32, #tpu.memory_space<hbm>> -> memref<25x8x128xf32, #tpu.memory_space<hbm>>
    tpu.wait_dma2 semaphore(%arg15 : memref<!tpu.dma_semaphore, #tpu.memory_space<semaphore_mem>>) src(%arg11 : memref<25x8x128xf32, #tpu.memory_space<vmem>>) dst(%dma_wait3A_146 : memref<25x8x128xf32, #tpu.memory_space<hbm>>)
    return
  }
}

</mosaic_0001>

<sc_bundles>
// kernel: _embed.3.cloned.1.call-start
scs
__scs_entry_jumppad:
0x0: {  	(pc) =	sbr.rel $0x88, $3  }
0x1: {  	(tag) =	ssettag $0x0;
	lr =	simm.s32 $0x1  }
0x2: {  	[smem:$0x3F9F] =	sst lr;
	_ =	strace $0xD0000000  }
0x3: {  	_ = 	snop  }
0x4: {  	_ = 	snop  }
0x5: {  	_ = 	snop  }
0x6: {  	_ = 	snop  }
0x7: {  	_ = 	snop  }
__scs_overlays_trampoline_lowered:
0x8: {  	[smem:$0x3FAE] =	sst s0  }
0x9: {  	[smem:$0x3FAF] =	sst s1  }
0xa: {  	[smem:$0x3FB0] =	sst s2  }
0xb: {  	[smem:$0x3FB1] =	sst s3  }
0xc: {  	[smem:$0x3FB2] =	sst s4  }
0xd: {  	[smem:$0x3FB3] =	sst s5  }
0xe: {  	[smem:$0x3FB4] =	sst s6  }
0xf: {  	[smem:$0x3FB5] =	sst s7  }
0x10: {  	[smem:$0x3FB6] =	sst s8  }
0x11: {  	[smem:$0x3FB7] =	sst s9;
	s0 =	simm.s32 @!p0 $0x0  }
0x12: {  	s1 =	sld [smem:$0x3F9D];
	s0 =	simm.s32 @p0 $0x1  }
0x13: {  	[smem:$0x3FB8] =	sst s0;
	s0 =	simm.s32 @!p1 $0x0  }
0x14: {  	s2 =	sld [smem:$0x3F9C];
	s0 =	simm.s32 @p1 $0x1  }
0x15: {  	[smem:$0x3FB9] =	sst s0;
	s0 =	simm.s32 @!p2 $0x0  }
0x16: {  	s3 =	sld [smem:$0x3FDB];
	s0 =	simm.s32 @p2 $0x1  }
0x17: {  	s4 =	simm.s32 $0x1BF5;
	[smem:$0x3FBB] =	sst s0  }
0x18: {  	s0 =	sld [smem:$0x3F9E];
	_ =	swait.ge [sflag:s4], $0x0  }
0x19: {  	s7 =	sld [smem:$0x3F9F]  }
0x1a: {  	s8 =	sadd.s32 $0xFFFFE003, lr  }
0x1b: {  	s9 =	sadd.s32 $0xFFFFFEF7, lr;
	s5 =	simm.s32 $0xFFFFFFFF;
	p2 =	slt.u32 s8, $0xFFFFF086  }
0x1c: {  	p1 =	slt.u32 s9, $0xF7A;
	s5 =	simm.s32 @!p2 $0x0  }
0x1d: {  	s5 =	simm.s32 @p1 $0x1;
	p0 =	seq.s32 s7, s2  }
0x1e: {  	s7 =	smul.u32 @!p0 $0xF7A, s2;
	p2 =	seq.s32 @!p0 s5, $0x0  }
0x1f: {  	s9 =	smul.u32 $0xF7A, s1;
	s8 =	simm.s32 @!p0 $0x1BF5;
	p2 =	por !p2, p0  }
0x20: {  	[sflag:s8] =	ssyncset.s32 @!p0 $0xFFFFF086;
	s6 =	sadd.s32 @!p0 s3, s7;
	s7 =	simm.s32 @!p0 $0x108  }
0x21: {  	s3 =	sadd.s32 s3, s9;
	s6 =	sadd.s32 @!p0 $0x88, s6;
	s7 =	simm.s32 @p2 $0x1082  }
0x22: {  	[simem:s7], [sflag:s8] =	dma.local @!p0 [hbm:s6], $0xF7A  }
0x23: {  	s9 =	sor.u32 $0xD0000000, s2;
	s6 =	simm.s32 $0x108;
	_ =	swait.ge @!p0 [sflag:s8], $0x0  }
0x24: {  	s3 =	sadd.s32 $0x88, s3;
	s6 =	simm.s32 @!p1 $0x1082;
	[sflag:s4] =	ssyncset.s32 $0xFFFFF086  }
0x25: {  	[simem:s6], [sflag:s4] =	dma.local [hbm:s3], $0xF7A  }
0x26: {  	[smem:$0x3F9F] =	sst s1;
	(tag) =	ssettag s2;
	_ =	strace s9  }
0x27: {  	s1 =	sld [smem:$0x3FAF]  }
0x28: {  	s2 =	sld [smem:$0x3FB0]  }
0x29: {  	s4 =	sld [smem:$0x3FB2]  }
0x2a: {  	p0 =	seq.s32 s5, $0x0;
	s5 =	sld [smem:$0x3FB3]  }
0x2b: {  	s6 =	sld [smem:$0x3FB4]  }
0x2c: {  	s7 =	sld [smem:$0x3FB5]  }
0x2d: {  	s3 =	simm.s32 $0x108;
	s8 =	sld [smem:$0x3FB6]  }
0x2e: {  	s3 =	simm.s32 @!p0 $0x1082;
	s9 =	sld [smem:$0x3FB7]  }
0x2f: {  	lr =	sadd.s32 s0, s3;
	s0 =	sld [smem:$0x3FAE]  }
0x30: {  	s3 =	sld [smem:$0x3FB1]  }
0x31: {  	[smem:$0x3FBA] =	sst s10  }
0x32: {  	s10 =	sld [smem:$0x3FB8];
	_ =	sdelay $0x3  }
0x33: {  	p0 =	seq.s32 s10, $0x1;
	s10 =	sld [smem:$0x3FBA];
	_ =	sdelay $0x3  }
0x34: {  	[smem:$0x3FBA] =	sst s10  }
0x35: {  	s10 =	sld [smem:$0x3FB9];
	_ =	sdelay $0x3  }
0x36: {  	p1 =	seq.s32 s10, $0x1;
	s10 =	sld [smem:$0x3FBA];
	_ =	sdelay $0x3  }
0x37: {  	[smem:$0x3FBA] =	sst s10  }
0x38: {  	s10 =	sld [smem:$0x3FBB]  }
0x39: {  	_ = 	snop;
	(pc) =	sbr.ind lr, $3  }
0x3a: {  	_ = 	snop  }
0x3b: {  	_ = 	snop  }
0x3c: {  	p2 =	seq.s32 s10, $0x1;
	s10 =	sld [smem:$0x3FBA]  }
0x3d: {  	_ =	shalt  }
0x3e: {  	_ =	shalt  }
0x3f: {  	_ =	shalt  }
0x40: {  	_ =	shalt  }
0x41: {  	_ =	shalt  }
0x42: {  	_ =	shalt  }
0x43: {  	_ =	shalt  }
0x44: {  	_ =	shalt  }
0x45: {  	_ =	shalt  }
0x46: {  	_ =	shalt  }
0x47: {  	_ =	shalt  }
0x48: {  	_ =	shalt  }
0x49: {  	_ =	shalt  }
0x4a: {  	_ =	shalt  }
0x4b: {  	_ =	shalt  }
0x4c: {  	_ =	shalt  }
0x4d: {  	_ =	shalt  }
0x4e: {  	_ =	shalt  }
0x4f: {  	_ =	shalt  }
0x50: {  	_ =	shalt  }
0x51: {  	_ =	shalt  }
0x52: {  	_ =	shalt  }
0x53: {  	_ =	shalt  }
0x54: {  	_ =	shalt  }
0x55: {  	_ =	shalt  }
0x56: {  	_ =	shalt  }
0x57: {  	_ =	shalt  }
0x58: {  	_ =	shalt  }
0x59: {  	_ =	shalt  }
0x5a: {  	_ =	shalt  }
0x5b: {  	_ =	shalt  }
0x5c: {  	_ =	shalt  }
0x5d: {  	_ =	shalt  }
0x5e: {  	_ =	shalt  }
0x5f: {  	_ =	shalt  }
0x60: {  	_ =	shalt  }
0x61: {  	_ =	shalt  }
0x62: {  	_ =	shalt  }
0x63: {  	_ =	shalt  }
0x64: {  	_ =	shalt  }
0x65: {  	_ =	shalt  }
0x66: {  	_ =	shalt  }
0x67: {  	_ =	shalt  }
0x68: {  	_ =	shalt  }
0x69: {  	_ =	shalt  }
0x6a: {  	_ =	shalt  }
0x6b: {  	_ =	shalt  }
0x6c: {  	_ =	shalt  }
0x6d: {  	_ =	shalt  }
0x6e: {  	_ =	shalt  }
0x6f: {  	_ =	shalt  }
0x70: {  	_ =	shalt  }
0x71: {  	_ =	shalt  }
0x72: {  	_ =	shalt  }
0x73: {  	_ =	shalt  }
0x74: {  	_ =	shalt  }
0x75: {  	_ =	shalt  }
0x76: {  	_ =	shalt  }
0x77: {  	_ =	shalt  }
0x78: {  	_ =	shalt  }
0x79: {  	_ =	shalt  }
0x7a: {  	_ =	shalt  }
0x7b: {  	_ =	shalt  }
0x7c: {  	_ =	shalt  }
0x7d: {  	_ =	shalt  }
0x7e: {  	_ =	shalt  }
0x7f: {  	_ =	shalt  }
0x80: {  	_ =	shalt  }
0x81: {  	_ =	shalt  }
0x82: {  	_ =	shalt  }
0x83: {  	_ =	shalt  }
0x84: {  	_ =	shalt  }
0x85: {  	_ =	shalt  }
0x86: {  	_ =	shalt  }
0x87: {  	_ =	shalt  }
.Lfunc_end0:
.L_simem_size_0:
called_computation_lowered:
.L_overlay_start_0:
0x88: {  	s2 =	sld [smem:$0x3FD9]  }
0x89: {  	s3 =	sld [smem:$0x3FFE];
	_ =	sdelay $0x1  }
0x8a: {  	s1 =	srdreg.scid  }
0x8b: {  	s0 =	sand.u32 $0x1, s1  }
0x8c: {  	s17 =	sshll.u32 s0, $0xA;
	s2 =	sadd.s32 s3, s2  }
0x8d: {  	s2 =	sadd.s32 s2, s17  }
0x8e: {  	[smem:$0x3FC6] =	sst s2  }
0x8f: {  	_ = 	snop  }
0x90: {  	s2 =	sld [smem:$0x3FC9]  }
0x91: {  	s18 =	sld [smem:$0x3FD0];
	(tm) =	ssettm $0x1  }
0x92: {  	s4 =	sld [smem:$0x3FFB];
	_ =	sdelay $0x3  }
0x93: {  	_ =	strace s4  }
0x94: {  	s4 =	sld [smem:$0x3FFC];
	_ =	sdelay $0x3  }
0x95: {  	_ =	strace s4  }
0x96: {  	s4 =	sld [smem:$0x3FFD];
	_ =	sdelay $0x3  }
0x97: {  	_ =	strace s4  }
0x98: {  	_ =	strace $0x8FFFFFFF  }
0x99: {  	s19 =	sld [smem:$0x3FDB];
	_ =	sdelay $0x1  }
0x9a: {  	s5 =	simm.s32 $_scs_section_size  }
0x9b: {  	s6 =	simm.s32 $_size__tile_overlayer_lowered;
	s7 =	simm.s32 $_tile_overlayer_lowered  }
0x9c: {  	s22 =	simm.s32 $0x1BFF;
	s21 =	sshll.u32 s7, $0x1;
	s4 =	sadd.s32 s5, s19  }
0x9d: {  	s8 =	simm.s32 $0x0;
	s20 =	sshll.u32 s6, $0x1;
	s6 =	sadd.s32 s21, s4  }
0x9e: {  	[timem:s8], [sflag:s22] =	dma.local [hbm:s6], s20  }
0x9f: {  	_ =	swait.ge [sflag:s22], s20  }
0xa0: {  	s5 =	ssub.s32 $0x0, s20;
	[sflag:s22] =	ssyncset.done $0x0  }
0xa1: {  	[sflag:s22] =	ssyncadd.s32 s5;
	_ =	sdelay $0x1  }
0xa2: {  	s23 =	simm.s32 $0x1B8B  }
0xa3: {  	_ =	swait.ge [sflag:s23], $0x1  }
0xa4: {  	[sflag:s23] =	ssyncset.done $0x0  }
0xa5: {  	s25 =	simm.s32 $0x1B8E;
	s24 =	sld [smem:$0x3FFE];
	[sflag:s23] =	ssyncadd.s32 $0xFFFFFFFF  }
0xa6: {  	s26 =	simm.s32 $execute0_lowered;
	[smem:$0x3FD2] =	sst s25  }
0xa7: {  	s6 =	sshll.u32 s26, $0x1;
	_ =	strace $0x80000046;
	[dreg:$0x1] =	wrdreg $0xFFFFFFFF  }
0xa8: {  	s28 =	simm.s32 $_size_execute0_lowered;
	s4 =	sadd.s32 s4, s6;
	[dreg:$0x0] =	wrdreg $0x0  }
0xa9: {  	s6 =	sshll.u32 s28, $0x1;
	[dreg:$0x2] =	wrdreg s4  }
0xaa: {  	[dreg:$0x3] =	wrdreg s6  }
0xab: {  	[dreg:$0x4] =	wrdreg $0xC0  }
0xac: {  	_ =	task [dreg:s8], $0x5FFFF  }
0xad: {  	[dreg:$0x1] =	wrdreg $0xFFFFFFFF  }
0xae: {  	[dreg:$0x0] =	wrdreg $0x60  }
0xaf: {  	[dreg:$0x2] =	wrdreg s24  }
0xb0: {  	[dreg:$0x3] =	wrdreg s2  }
0xb1: {  	[dreg:$0x4] =	wrdreg s18  }
0xb2: {  	[dreg:$0x5] =	wrdreg $0x9  }
0xb3: {  	_ =	task.clear_ibuf [dreg:s8], $0x6FFFF;
	_ =	strace $0x90000046  }
0xb4: {  	s29 =	simm.s32 $0x9;
	_ =	strace $0x80000048  }
0xb5: {  	_ =	swait.ge [sflag:s29], $0x1  }
0xb6: {  	[sflag:s29] =	ssyncadd.s32 $0xFFFFFFFF  }
0xb7: {  	_ =	strace $0x90000048  }
0xb8: {  	_ =	sfence  }
0xb9: {  	s30 =	sld [smem:$0x0];
	_ =	sdelay $0x2  }
0xba: {  	s31 =	sshll.u32 s1, $0xD;
	s1 =	sshrl.u32 s1, $0x2  }
0xbb: {  	s3 =	sand.u32 $0x4000, s31;
	s1 =	sadd.s32 s1, s30  }
0xbc: {  	s0 =	sor.u32 s3, s0;
	s1 =	sshll.u32 s1, $0x11  }
0xbd: {  	s0 =	sor.u32 s1, s0  }
0xbe: {  	s0 =	sadd.s32 $0x8F2B, s0  }
0xbf: {  	[sflag:s0] =	ssyncadd.remote.s32 $0x1  }
0xc0: {  	_ =	sfence.sel $0xFFFF  }
0xc1: {  	[dreg:$0x0] =	wrdreg $0xFFFFFFFF;
	(pc) =	sbr.abs _section_cstart, $3  }
0xc2: {  	[dreg:$0x1] =	wrdreg $0xFFFFFFFF  }
0xc3: {  	_ =	task.clear_ibuf [dreg:s8], $0x2FFFF;
	_ =	strace $0x9FFFFFFF  }
0xc4: {  	(tm) =	ssettm $0x7FFFFFFF  }
0xc5: {  	_ =	shalt  }
tec
execute0_lowered:
.L_overlay_start_1:
0x0: {  	(tag) =	ssettag $0x1  }
0x1: {  	v0 =	vlaneseq.u32  }
0x2: {  	v1 =	vmul.u32 $0xC8, v0;
	_ =	sdelay $0x1  }
0x3: {  	v0 =	vor.u32 $0x1, v1  }
0x4: {  	[tilespmem:$0x1FC80] =	vst v0;
	v0 =	vadd.s32 $0xC81, v1  }
0x5: {  	[tilespmem:$0x1FC90] =	vst v0;
	v0 =	vadd.s32 $0x1901, v1  }
0x6: {  	[tilespmem:$0x1FCA0] =	vst v0;
	v0 =	vadd.s32 $0x2581, v1  }
0x7: {  	[tilespmem:$0x1FCB0] =	vst v0;
	v0 =	vadd.s32 $0x3201, v1  }
0x8: {  	[tilespmem:$0x1FCC0] =	vst v0;
	v0 =	vadd.s32 $0x3E81, v1  }
0x9: {  	[tilespmem:$0x1FCD0] =	vst v0;
	v0 =	vadd.s32 $0x4B01, v1  }
0xa: {  	[tilespmem:$0x1FCE0] =	vst v0;
	v0 =	vadd.s32 $0x5781, v1  }
0xb: {  	[tilespmem:$0x1FCF0] =	vst v0;
	v0 =	vor.u32 $0x2, v1  }
0xc: {  	[tilespmem:$0x1FD00] =	vst v0;
	v0 =	vadd.s32 $0xC82, v1  }
0xd: {  	[tilespmem:$0x1FD10] =	vst v0;
	v0 =	vadd.s32 $0x1902, v1  }
0xe: {  	[tilespmem:$0x1FD20] =	vst v0;
	v0 =	vadd.s32 $0x2582, v1  }
0xf: {  	[tilespmem:$0x1FD30] =	vst v0;
	v0 =	vadd.s32 $0x3202, v1  }
0x10: {  	[tilespmem:$0x1FD40] =	vst v0;
	v0 =	vadd.s32 $0x3E82, v1  }
0x11: {  	[tilespmem:$0x1FD50] =	vst v0;
	v0 =	vadd.s32 $0x4B02, v1  }
0x12: {  	[tilespmem:$0x1FD60] =	vst v0;
	v0 =	vadd.s32 $0x5782, v1  }
0x13: {  	[tilespmem:$0x1FD70] =	vst v0;
	v0 =	vor.u32 $0x3, v1  }
0x14: {  	[tilespmem:$0x1FD80] =	vst v0;
	v0 =	vadd.s32 $0xC83, v1  }
0x15: {  	[tilespmem:$0x1FD90] =	vst v0;
	v0 =	vadd.s32 $0x1903, v1  }
0x16: {  	[tilespmem:$0x1FDA0] =	vst v0;
	v0 =	vadd.s32 $0x2583, v1  }
0x17: {  	[tilespmem:$0x1FDB0] =	vst v0;
	v0 =	vadd.s32 $0x3203, v1  }
0x18: {  	[tilespmem:$0x1FDC0] =	vst v0;
	v0 =	vadd.s32 $0x3E83, v1  }
0x19: {  	[tilespmem:$0x1FDD0] =	vst v0;
	v0 =	vadd.s32 $0x4B03, v1  }
0x1a: {  	[tilespmem:$0x1FDE0] =	vst v0;
	v0 =	vadd.s32 $0x5783, v1  }
0x1b: {  	[tilespmem:$0x1FDF0] =	vst v0;
	v0 =	vor.u32 $0x4, v1  }
0x1c: {  	[tilespmem:$0x1FE00] =	vst v0;
	v0 =	vadd.s32 $0xC84, v1  }
0x1d: {  	[tilespmem:$0x1FE10] =	vst v0;
	v0 =	vadd.s32 $0x1904, v1  }
0x1e: {  	[tilespmem:$0x1FE20] =	vst v0;
	v0 =	vadd.s32 $0x2584, v1  }
0x1f: {  	[tilespmem:$0x1FE30] =	vst v0;
	v0 =	vadd.s32 $0x3204, v1  }
0x20: {  	s4 =	rddreg [dreg:$0x0];
	[tilespmem:$0x1FE40] =	vst v0;
	v0 =	vadd.s32 $0x3E84, v1  }
0x21: {  	s5 =	rddreg [dreg:$0x1];
	[tilespmem:$0x1FE50] =	vst v0;
	v0 =	vadd.s32 $0x4B04, v1  }
0x22: {  	s1 =	rddreg [dreg:$0x2];
	s3 =	simm.s32 $0x0;
	[tilespmem:$0x1FE60] =	vst v0;
	v0 =	vadd.s32 $0x5784, v1  }
0x23: {  	[smem:$0x7FF] =	sst s3;
	[tilespmem:$0x1FE70] =	vst v0;
	v0 =	vor.u32 $0x5, v1  }
0x24: {  	s0 =	rddreg [dreg:$0x3];
	_ =	strace $0x80000047;
	[tilespmem:$0x1FE80] =	vst v0;
	v0 =	vadd.s32 $0xC85, v1  }
0x25: {  	[tilespmem:$0x1FE90] =	vst v0;
	v0 =	vadd.s32 $0x1905, v1  }
0x26: {  	[tilespmem:$0x1FEA0] =	vst v0;
	v0 =	vadd.s32 $0x2585, v1  }
0x27: {  	[tilespmem:$0x1FEB0] =	vst v0;
	v0 =	vadd.s32 $0x3205, v1  }
0x28: {  	[tilespmem:$0x1FEC0] =	vst v0;
	v0 =	vadd.s32 $0x3E85, v1  }
0x29: {  	[tilespmem:$0x1FED0] =	vst v0;
	v0 =	vadd.s32 $0x4B05, v1  }
0x2a: {  	[tilespmem:$0x1FEE0] =	vst v0;
	v0 =	vadd.s32 $0x5785, v1  }
0x2b: {  	[tilespmem:$0x1FEF0] =	vst v0;
	v0 =	vor.u32 $0x6, v1  }
0x2c: {  	[tilespmem:$0x1FF00] =	vst v0;
	v0 =	vadd.s32 $0xC86, v1  }
0x2d: {  	[tilespmem:$0x1FF10] =	vst v0;
	v0 =	vadd.s32 $0x1906, v1  }
0x2e: {  	[tilespmem:$0x1FF20] =	vst v0;
	v0 =	vadd.s32 $0x2586, v1  }
0x2f: {  	[tilespmem:$0x1FF30] =	vst v0;
	v0 =	vadd.s32 $0x3206, v1  }
0x30: {  	[tilespmem:$0x1FF40] =	vst v0;
	v0 =	vadd.s32 $0x3E86, v1  }
0x31: {  	[tilespmem:$0x1FF50] =	vst v0;
	v0 =	vadd.s32 $0x4B06, v1  }
0x32: {  	s6 =	srdreg.scid;
	s2 =	stileid.u32;
	[tilespmem:$0x1FF60] =	vst v0;
	v0 =	vadd.s32 $0x5786, v1  }
0x33: {  	s10 =	simm.s32 $0x5;
	s11 =	simm.s32 $0x1900;
	s12 =	simm.s32 $0x1A00;
	[tilespmem:$0x1FF70] =	vst v0;
	v0 =	vor.u32 $0x7, v1  }
0x34: {  	s13 =	simm.s32 $0x1980;
	s14 =	simm.s32 $0x7E00;
	s15 =	simm.s32 $0x1;
	[tilespmem:$0x1FF80] =	vst v0;
	v0 =	vadd.s32 $0xC87, v1  }
0x35: {  	s16 =	simm.s32 $0x400;
	s17 =	simm.s32 $0x8000;
	s18 =	simm.s32 $0xE200;
	[tilespmem:$0x1FF90] =	vst v0;
	v0 =	vadd.s32 $0x1907, v1  }
0x36: {  	s19 =	simm.s32 $0x2;
	s20 =	simm.s32 $0x14600;
	s21 =	simm.s32 $0x3;
	[tilespmem:$0x1FFA0] =	vst v0;
	v0 =	vadd.s32 $0x2587, v1  }
0x37: {  	s22 =	simm.s32 $0x4;
	s6 =	sand.u32 $0x1, s6;
	s7 =	sshll.u32 s2, $0x1;
	[tilespmem:$0x1FFB0] =	vst v0;
	v0 =	vadd.s32 $0x3207, v1  }
0x38: {  	s23 =	simm.s32 $0x0;
	s8 =	ssub.s32 $0x2, s6;
	s6 =	sor.u32 s6, s7;
	[tilespmem:$0x1FFC0] =	vst v0;
	v0 =	vadd.s32 $0x3E87, v1  }
0x39: {  	s4 =	sadd.s32 $0x400, s4;
	v2 =	vadd.s32 $0xC80, v1;
	v3 =	vadd.s32 $0x1900, v1;
	s31 =	sshrl.u32 s8, $0x1;
	s9 =	sshll.u32 s6, $0x4;
	[tilespmem:$0x1FFD0] =	vst v0;
	v0 =	vadd.s32 $0x4B07, v1  }
0x3a: {  	v4 =	vadd.s32 $0x2580, v1;
	v5 =	vadd.s32 $0x3200, v1;
	s6 =	sshll.u32 s6, $0xA;
	s7 =	ssub.s32 s8, s31;
	s5 =	sadd.s32 s5, s9;
	[tilespmem:$0x1FFE0] =	vst v0;
	v0 =	vadd.s32 $0x5787, v1  }
0x3b: {  	v6 =	vadd.s32 $0x3E80, v1;
	v7 =	vadd.s32 $0x4B00, v1;
	v8 =	vadd.s32 $0x5780, v1;
	s8 =	simm.s32 $0x80;
	s9 =	simm.s32 $0x1000;
	s7 =	smax.u32 s7, $0x1;
	[tilespmem:$0x1FFF0] =	vst v0  }
.LBB2_1:
0x3c: {  	[tilespmem:s3], [sflag:$0x5] =	stream.strided.gather [hbm4b:s5+s8], $0x1900, s9, s8, $0x38;
	[tilespmem:$0x1AA00] =	vst v63  }
0x3d: {  	_ =	swait.ge [sflag:s10], $0x1900  }
0x3e: {  	[sflag:s10] =	ssyncset.done $0x0  }
0x3f: {  	[sflag:s10] =	ssyncadd.s32 $0xFFFFE700  }
0x40: {  	v0 =	vld [tilespmem:$0x0]  }
0x41: {  	v11 =	vld [tilespmem:$0x10]  }
0x42: {  	v13 =	vld [tilespmem:$0x20]  }
0x43: {  	v12 =	vld [tilespmem:$0x30]  }
0x44: {  	v9 =	vld [tilespmem:$0x40]  }
0x45: {  	v10 =	vld [tilespmem:$0x50];
	v0 =	vmul.u32 $0x5, v0  }
0x46: {  	v14 =	vmul.u32 $0x5, v11;
	v11 =	vld [tilespmem:$0x60]  }
0x47: {  	v63 =	vld [tilespmem:$0x70];
	v15 =	vmul.u32 $0x5, v13;
	[tilespmem:$0x1900] =	vst v0  }
0x48: {  	[tilespmem:$0x1910] =	vst v14;
	v0 =	vmul.u32 $0x5, v12  }
0x49: {  	v9 =	vmul.u32 $0x5, v9;
	[tilespmem:$0x1920] =	vst v15  }
0x4a: {  	[tilespmem:$0x1930] =	vst v0;
	v0 =	vmul.u32 $0x5, v10  }
0x4b: {  	[tilespmem:$0x1940] =	vst v9;
	v9 =	vmul.u32 $0x5, v11  }
0x4c: {  	[tilespmem:$0x1950] =	vst v0;
	v0 =	vmul.u32 $0x5, v63  }
0x4d: {  	[tilespmem:$0x1960] =	vst v9  }
0x4e: {  	s24 =	simm.s32 $0x0;
	[tilespmem:$0x1970] =	vst v0  }
0x4f: {  	[tilespmem:s12], [sflag:$0x1] =	stream.indirect.gather [hbm4b:s4+s8], $0xC8, s11, s8, $0xb8;
	[tilespmem:$0x1AA00] =	vst v63  }
.LBB2_2:
0x50: {  	s26 =	sshllo.u32 s24, $0x1  }
0x51: {  	s25 =	sand.u32 $0xFF, s26  }
0x52: {  	s25 =	smul.u32 $0xCD, s25;
	_ =	sdelay $0x1  }
0x53: {  	s25 =	sshrl.u32 s25, $0xA  }
0x54: {  	s28 =	sshll.u32 s25, $0x7  }
0x55: {  	v0 =	vld [tilespmem:s28+$0x0];
	_ =	sdelay $0x2  }
0x56: {  	s29 =	smul.u32 $0x5, s25;
	_ =	sdelay $0x1  }
0x57: {  	s26 =	ssub.s32 s26, s29;
	v0 =	vmul.u32 $0x5, v0  }
0x58: {  	s26 =	sand.u32 $0xFF, s26  }
0x59: {  	v0 =	vadd.s32 s26, v0  }
0x5a: {  	[tilespmem:$0x1980] =	vst v0  }
0x5b: {  	v0 =	vld [tilespmem:s28+$0x10];
	_ =	sdelay $0x4  }
0x5c: {  	v0 =	vmul.u32 $0x5, v0;
	_ =	sdelay $0x1  }
0x5d: {  	v0 =	vadd.s32 s26, v0  }
0x5e: {  	[tilespmem:$0x1990] =	vst v0  }
0x5f: {  	v0 =	vld [tilespmem:s28+$0x20];
	_ =	sdelay $0x4  }
0x60: {  	v0 =	vmul.u32 $0x5, v0;
	_ =	sdelay $0x1  }
0x61: {  	v0 =	vadd.s32 s26, v0  }
0x62: {  	[tilespmem:$0x19A0] =	vst v0  }
0x63: {  	v0 =	vld [tilespmem:s28+$0x30];
	_ =	sdelay $0x4  }
0x64: {  	v0 =	vmul.u32 $0x5, v0;
	_ =	sdelay $0x1  }
0x65: {  	v0 =	vadd.s32 s26, v0  }
0x66: {  	[tilespmem:$0x19B0] =	vst v0  }
0x67: {  	v0 =	vld [tilespmem:s28+$0x40];
	_ =	sdelay $0x4  }
0x68: {  	v0 =	vmul.u32 $0x5, v0;
	_ =	sdelay $0x1  }
0x69: {  	v0 =	vadd.s32 s26, v0  }
0x6a: {  	[tilespmem:$0x19C0] =	vst v0  }
0x6b: {  	v0 =	vld [tilespmem:s28+$0x50];
	_ =	sdelay $0x4  }
0x6c: {  	v0 =	vmul.u32 $0x5, v0;
	_ =	sdelay $0x1  }
0x6d: {  	v0 =	vadd.s32 s26, v0  }
0x6e: {  	[tilespmem:$0x19D0] =	vst v0  }
0x6f: {  	v0 =	vld [tilespmem:s28+$0x60];
	_ =	sdelay $0x4  }
0x70: {  	v0 =	vmul.u32 $0x5, v0;
	_ =	sdelay $0x1  }
0x71: {  	v0 =	vadd.s32 s26, v0  }
0x72: {  	[tilespmem:$0x19E0] =	vst v0  }
0x73: {  	v0 =	vld [tilespmem:s28+$0x70];
	_ =	sdelay $0x4  }
0x74: {  	v0 =	vmul.u32 $0x5, v0;
	_ =	sdelay $0x1  }
0x75: {  	p0 =	seq.s32 s24, $0x0;
	v0 =	vadd.s32 s26, v0  }
0x76: {  	s28 =	simm.s32 @!p0 $0x3;
	[tilespmem:$0x19F0] =	vst v0  }
0x77: {  	[tilespmem:s14], [sflag:$0x2] =	stream.indirect.gather [hbm4b:s4+s8], $0xC8, s13, s8, $0xb8;
	[tilespmem:$0x1AA00] =	vst v63  }
0x78: {  	_ =	swait.ge @!p0 [sflag:s28], $0x6400  }
0x79: {  	[sflag:s28] =	ssyncset.done @!p0 $0x0  }
0x7a: {  	[sflag:s28] =	ssyncadd.s32 @!p0 $0xFFFF9C00  }
0x7b: {  	_ =	swait.ge [sflag:s15], $0x6400  }
0x7c: {  	v26 =	vld [tilespmem:$0x1FD10]  }
0x7d: {  	v27 =	vld [tilespmem:$0x1FD20]  }
0x7e: {  	v28 =	vld [tilespmem:$0x1FD30]  }
0x7f: {  	v29 =	vld [tilespmem:$0x1FD40]  }
0x80: {  	v30 =	vld [tilespmem:$0x1FD50]  }
0x81: {  	v31 =	vld [tilespmem:$0x1FD60]  }
0x82: {  	v32 =	vld [tilespmem:$0x1FD70]  }
0x83: {  	v33 =	vld [tilespmem:$0x1FD80]  }
0x84: {  	v34 =	vld [tilespmem:$0x1FD90]  }
0x85: {  	v35 =	vld [tilespmem:$0x1FDA0]  }
0x86: {  	v36 =	vld [tilespmem:$0x1FDB0]  }
0x87: {  	v37 =	vld [tilespmem:$0x1FDC0]  }
0x88: {  	v38 =	vld [tilespmem:$0x1FDD0]  }
0x89: {  	v39 =	vld [tilespmem:$0x1FDE0]  }
0x8a: {  	v40 =	vld [tilespmem:$0x1FDF0]  }
0x8b: {  	v41 =	vld [tilespmem:$0x1FE00]  }
0x8c: {  	v42 =	vld [tilespmem:$0x1FE10]  }
0x8d: {  	v43 =	vld [tilespmem:$0x1FE20]  }
0x8e: {  	v44 =	vld [tilespmem:$0x1FE30]  }
0x8f: {  	v45 =	vld [tilespmem:$0x1FE40]  }
0x90: {  	v46 =	vld [tilespmem:$0x1FE50]  }
0x91: {  	v47 =	vld [tilespmem:$0x1FE60]  }
0x92: {  	v48 =	vld [tilespmem:$0x1FE70]  }
0x93: {  	v49 =	vld [tilespmem:$0x1FE80]  }
0x94: {  	v50 =	vld [tilespmem:$0x1FE90]  }
0x95: {  	v51 =	vld [tilespmem:$0x1FEA0]  }
0x96: {  	v52 =	vld [tilespmem:$0x1FEB0]  }
0x97: {  	v53 =	vld [tilespmem:$0x1FEC0]  }
0x98: {  	v54 =	vld [tilespmem:$0x1FED0]  }
0x99: {  	v55 =	vld [tilespmem:$0x1FEE0]  }
0x9a: {  	v56 =	vld [tilespmem:$0x1FEF0]  }
0x9b: {  	v57 =	vld [tilespmem:$0x1FF00]  }
0x9c: {  	v58 =	vld [tilespmem:$0x1FF10]  }
0x9d: {  	v59 =	vld [tilespmem:$0x1FF20]  }
0x9e: {  	v60 =	vld [tilespmem:$0x1FF30]  }
0x9f: {  	v61 =	vld [tilespmem:$0x1FF40]  }
0xa0: {  	v62 =	vld [tilespmem:$0x1FF50]  }
0xa1: {  	v63 =	vld [tilespmem:$0x1FF60]  }
0xa2: {  	v17 =	vld [tilespmem:$0x1FF70]  }
0xa3: {  	v18 =	vld [tilespmem:$0x1FF80]  }
0xa4: {  	v19 =	vld [tilespmem:$0x1FF90]  }
0xa5: {  	v20 =	vld [tilespmem:$0x1FFA0]  }
0xa6: {  	v21 =	vld [tilespmem:$0x1FFB0]  }
0xa7: {  	v22 =	vld [tilespmem:$0x1FFC0]  }
0xa8: {  	v23 =	vld [tilespmem:$0x1FFD0]  }
0xa9: {  	s30 =	simm.s32 $0xE400;
	[sflag:s15] =	ssyncset.done $0x0;
	v24 =	vld [tilespmem:$0x1FFE0]  }
0xaa: {  	s29 =	simm.s32 $0x0;
	s28 =	sshll.u32 s24, $0x1;
	v25 =	vld [tilespmem:$0x1FFF0];
	[sflag:s15] =	ssyncadd.s32 $0xFFFF9C00  }
.LBB2_3:
0xab: {  	v0 =	vmov s29  }
0xac: {  	v0 =	vshrl.u32 v0, $0x3  }
0xad: {  	v0 =	vshll.u32 v0, $0x3  }
0xae: {  	v0 =	vbroadcast v0, $0x0;
	_ =	sdelay $0x1  }
0xaf: {  	v9 =	vmov v1;
	v1 =	vadd.s32 v1, v0  }
0xb0: {  	v10 =	vmov v2;
	v2 =	vadd.s32 v2, v0  }
0xb1: {  	v11 =	vmov v3;
	v3 =	vadd.s32 v3, v0  }
0xb2: {  	v12 =	vmov v4;
	v4 =	vadd.s32 v4, v0  }
0xb3: {  	v13 =	vmov v5;
	v5 =	vadd.s32 v5, v0  }
0xb4: {  	v14 =	vmov v6;
	v6 =	vadd.s32 v6, v0;
	v1 =	vld.idx.msk [tilespmem:v1+s12+$0x0], $0xffff  }
0xb5: {  	v15 =	vmov v7;
	v7 =	vadd.s32 v7, v0;
	v2 =	vld.idx.msk [tilespmem:v2+s12+$0x0], $0xffff  }
0xb6: {  	v16 =	vmov v8;
	v8 =	vadd.s32 v8, v0;
	v3 =	vld.idx.msk [tilespmem:v3+s12+$0x0], $0xffff  }
0xb7: {  	v4 =	vld.idx.msk [tilespmem:v4+s12+$0x0], $0xffff  }
0xb8: {  	v5 =	vld.idx.msk [tilespmem:v5+s12+$0x0], $0xffff  }
0xb9: {  	v6 =	vld.idx.msk [tilespmem:v6+s12+$0x0], $0xffff  }
0xba: {  	v7 =	vld.idx.msk [tilespmem:v7+s12+$0x0], $0xffff  }
0xbb: {  	v8 =	vld.idx.msk [tilespmem:v8+s12+$0x0], $0xffff  }
0xbc: {  	[tilespmem:s30+$0xFFFFFE00] =	vst v1;
	v1 =	vld [tilespmem:$0x1FC80]  }
0xbd: {  	[tilespmem:s30+$0xFFFFFE10] =	vst v2;
	v2 =	vld [tilespmem:$0x1FC90]  }
0xbe: {  	[tilespmem:s30+$0xFFFFFE20] =	vst v3;
	v3 =	vld [tilespmem:$0x1FCA0]  }
0xbf: {  	[tilespmem:s30+$0xFFFFFE30] =	vst v4;
	v4 =	vld [tilespmem:$0x1FCB0]  }
0xc0: {  	[tilespmem:s30+$0xFFFFFE40] =	vst v5;
	v5 =	vld [tilespmem:$0x1FCC0]  }
0xc1: {  	[tilespmem:s30+$0xFFFFFE50] =	vst v6;
	v6 =	vld [tilespmem:$0x1FCD0];
	v1 =	vadd.s32 v1, v0  }
0xc2: {  	[tilespmem:s30+$0xFFFFFE60] =	vst v7;
	v7 =	vld [tilespmem:$0x1FCE0];
	v2 =	vadd.s32 v2, v0  }
0xc3: {  	[tilespmem:s30+$0xFFFFFE70] =	vst v8;
	v8 =	vld [tilespmem:$0x1FCF0];
	v3 =	vadd.s32 v3, v0  }
0xc4: {  	v4 =	vadd.s32 v4, v0  }
0xc5: {  	v5 =	vadd.s32 v5, v0  }
0xc6: {  	v6 =	vadd.s32 v6, v0;
	v1 =	vld.idx.msk [tilespmem:v1+s12+$0x0], $0xffff  }
0xc7: {  	v7 =	vadd.s32 v7, v0;
	v2 =	vld.idx.msk [tilespmem:v2+s12+$0x0], $0xffff  }
0xc8: {  	v8 =	vadd.s32 v8, v0;
	v3 =	vld.idx.msk [tilespmem:v3+s12+$0x0], $0xffff  }
0xc9: {  	v4 =	vld.idx.msk [tilespmem:v4+s12+$0x0], $0xffff  }
0xca: {  	v5 =	vld.idx.msk [tilespmem:v5+s12+$0x0], $0xffff  }
0xcb: {  	v6 =	vld.idx.msk [tilespmem:v6+s12+$0x0], $0xffff  }
0xcc: {  	v7 =	vld.idx.msk [tilespmem:v7+s12+$0x0], $0xffff  }
0xcd: {  	v8 =	vld.idx.msk [tilespmem:v8+s12+$0x0], $0xffff;
	[tilespmem:s30+$0xFFFFFE80] =	vst v1  }
0xce: {  	[tilespmem:s30+$0xFFFFFE90] =	vst v2  }
0xcf: {  	[tilespmem:s30+$0xFFFFFEA0] =	vst v3  }
0xd0: {  	[tilespmem:s30+$0xFFFFFEB0] =	vst v4;
	v2 =	vadd.s32 v26, v0  }
0xd1: {  	[tilespmem:s30+$0xFFFFFEC0] =	vst v5;
	v3 =	vadd.s32 v27, v0  }
0xd2: {  	v1 =	vld [tilespmem:$0x1FD00];
	[tilespmem:s30+$0xFFFFFED0] =	vst v6;
	v4 =	vadd.s32 v28, v0  }
0xd3: {  	[tilespmem:s30+$0xFFFFFEE0] =	vst v7;
	v5 =	vadd.s32 v29, v0  }
0xd4: {  	[tilespmem:s30+$0xFFFFFEF0] =	vst v8;
	v6 =	vadd.s32 v30, v0  }
0xd5: {  	v7 =	vadd.s32 v31, v0;
	v2 =	vld.idx.msk [tilespmem:v2+s12+$0x0], $0xffff  }
0xd6: {  	v8 =	vadd.s32 v32, v0;
	v3 =	vld.idx.msk [tilespmem:v3+s12+$0x0], $0xffff  }
0xd7: {  	v1 =	vadd.s32 v1, v0;
	v4 =	vld.idx.msk [tilespmem:v4+s12+$0x0], $0xffff  }
0xd8: {  	v5 =	vld.idx.msk [tilespmem:v5+s12+$0x0], $0xffff  }
0xd9: {  	v6 =	vld.idx.msk [tilespmem:v6+s12+$0x0], $0xffff  }
0xda: {  	v7 =	vld.idx.msk [tilespmem:v7+s12+$0x0], $0xffff  }
0xdb: {  	v8 =	vld.idx.msk [tilespmem:v8+s12+$0x0], $0xffff  }
0xdc: {  	v1 =	vld.idx.msk [tilespmem:v1+s12+$0x0], $0xffff;
	[tilespmem:s30+$0xFFFFFF10] =	vst v2  }
0xdd: {  	[tilespmem:s30+$0xFFFFFF20] =	vst v3  }
0xde: {  	[tilespmem:s30+$0xFFFFFF30] =	vst v4  }
0xdf: {  	[tilespmem:s30+$0xFFFFFF40] =	vst v5;
	v2 =	vadd.s32 v34, v0  }
0xe0: {  	[tilespmem:s30+$0xFFFFFF50] =	vst v6;
	v3 =	vadd.s32 v35, v0  }
0xe1: {  	[tilespmem:s30+$0xFFFFFF60] =	vst v7;
	v4 =	vadd.s32 v36, v0  }
0xe2: {  	[tilespmem:s30+$0xFFFFFF70] =	vst v8;
	v5 =	vadd.s32 v37, v0  }
0xe3: {  	v6 =	vadd.s32 v38, v0;
	[tilespmem:s30+$0xFFFFFF00] =	vst v1  }
0xe4: {  	v7 =	vadd.s32 v39, v0;
	v2 =	vld.idx.msk [tilespmem:v2+s12+$0x0], $0xffff  }
0xe5: {  	v8 =	vadd.s32 v40, v0;
	v3 =	vld.idx.msk [tilespmem:v3+s12+$0x0], $0xffff  }
0xe6: {  	v1 =	vadd.s32 v33, v0;
	v4 =	vld.idx.msk [tilespmem:v4+s12+$0x0], $0xffff  }
0xe7: {  	v5 =	vld.idx.msk [tilespmem:v5+s12+$0x0], $0xffff  }
0xe8: {  	v6 =	vld.idx.msk [tilespmem:v6+s12+$0x0], $0xffff  }
0xe9: {  	v7 =	vld.idx.msk [tilespmem:v7+s12+$0x0], $0xffff  }
0xea: {  	v8 =	vld.idx.msk [tilespmem:v8+s12+$0x0], $0xffff  }
0xeb: {  	v1 =	vld.idx.msk [tilespmem:v1+s12+$0x0], $0xffff;
	[tilespmem:s30+$0xFFFFFF90] =	vst v2  }
0xec: {  	[tilespmem:s30+$0xFFFFFFA0] =	vst v3  }
0xed: {  	[tilespmem:s30+$0xFFFFFFB0] =	vst v4  }
0xee: {  	[tilespmem:s30+$0xFFFFFFC0] =	vst v5;
	v2 =	vadd.s32 v42, v0  }
0xef: {  	[tilespmem:s30+$0xFFFFFFD0] =	vst v6;
	v3 =	vadd.s32 v43, v0  }
0xf0: {  	[tilespmem:s30+$0xFFFFFFE0] =	vst v7;
	v4 =	vadd.s32 v44, v0  }
0xf1: {  	[tilespmem:s30+$0xFFFFFFF0] =	vst v8;
	v5 =	vadd.s32 v45, v0  }
0xf2: {  	v6 =	vadd.s32 v46, v0;
	[tilespmem:s30+$0xFFFFFF80] =	vst v1  }
0xf3: {  	v7 =	vadd.s32 v47, v0;
	v2 =	vld.idx.msk [tilespmem:v2+s12+$0x0], $0xffff  }
0xf4: {  	v8 =	vadd.s32 v48, v0;
	v3 =	vld.idx.msk [tilespmem:v3+s12+$0x0], $0xffff  }
0xf5: {  	v1 =	vadd.s32 v41, v0;
	v4 =	vld.idx.msk [tilespmem:v4+s12+$0x0], $0xffff  }
0xf6: {  	v5 =	vld.idx.msk [tilespmem:v5+s12+$0x0], $0xffff  }
0xf7: {  	v6 =	vld.idx.msk [tilespmem:v6+s12+$0x0], $0xffff  }
0xf8: {  	v7 =	vld.idx.msk [tilespmem:v7+s12+$0x0], $0xffff  }
0xf9: {  	v8 =	vld.idx.msk [tilespmem:v8+s12+$0x0], $0xffff  }
0xfa: {  	v1 =	vld.idx.msk [tilespmem:v1+s12+$0x0], $0xffff;
	[tilespmem:s30+$0x10] =	vst v2  }
0xfb: {  	[tilespmem:s30+$0x20] =	vst v3  }
0xfc: {  	[tilespmem:s30+$0x30] =	vst v4  }
0xfd: {  	[tilespmem:s30+$0x40] =	vst v5;
	v2 =	vadd.s32 v50, v0  }
0xfe: {  	[tilespmem:s30+$0x50] =	vst v6;
	v3 =	vadd.s32 v51, v0  }
0xff: {  	[tilespmem:s30+$0x60] =	vst v7;
	v4 =	vadd.s32 v52, v0  }
0x100: {  	[tilespmem:s30+$0x70] =	vst v8;
	v5 =	vadd.s32 v53, v0  }
0x101: {  	v6 =	vadd.s32 v54, v0;
	[tilespmem:s30+$0x0] =	vst v1  }
0x102: {  	v7 =	vadd.s32 v55, v0;
	v2 =	vld.idx.msk [tilespmem:v2+s12+$0x0], $0xffff  }
0x103: {  	v8 =	vadd.s32 v56, v0;
	v3 =	vld.idx.msk [tilespmem:v3+s12+$0x0], $0xffff  }
0x104: {  	v1 =	vadd.s32 v49, v0;
	v4 =	vld.idx.msk [tilespmem:v4+s12+$0x0], $0xffff  }
0x105: {  	v5 =	vld.idx.msk [tilespmem:v5+s12+$0x0], $0xffff  }
0x106: {  	v6 =	vld.idx.msk [tilespmem:v6+s12+$0x0], $0xffff  }
0x107: {  	v7 =	vld.idx.msk [tilespmem:v7+s12+$0x0], $0xffff  }
0x108: {  	v8 =	vld.idx.msk [tilespmem:v8+s12+$0x0], $0xffff  }
0x109: {  	v1 =	vld.idx.msk [tilespmem:v1+s12+$0x0], $0xffff;
	[tilespmem:s30+$0x90] =	vst v2  }
0x10a: {  	[tilespmem:s30+$0xA0] =	vst v3  }
0x10b: {  	[tilespmem:s30+$0xB0] =	vst v4  }
0x10c: {  	[tilespmem:s30+$0xC0] =	vst v5;
	v2 =	vadd.s32 v58, v0  }
0x10d: {  	[tilespmem:s30+$0xD0] =	vst v6;
	v3 =	vadd.s32 v59, v0  }
0x10e: {  	[tilespmem:s30+$0xE0] =	vst v7;
	v4 =	vadd.s32 v60, v0  }
0x10f: {  	[tilespmem:s30+$0xF0] =	vst v8;
	v5 =	vadd.s32 v61, v0  }
0x110: {  	v6 =	vadd.s32 v62, v0;
	[tilespmem:s30+$0x80] =	vst v1  }
0x111: {  	v7 =	vadd.s32 v63, v0;
	v2 =	vld.idx.msk [tilespmem:v2+s12+$0x0], $0xffff  }
0x112: {  	v8 =	vadd.s32 v17, v0;
	v3 =	vld.idx.msk [tilespmem:v3+s12+$0x0], $0xffff  }
0x113: {  	v1 =	vadd.s32 v57, v0;
	v4 =	vld.idx.msk [tilespmem:v4+s12+$0x0], $0xffff  }
0x114: {  	v5 =	vld.idx.msk [tilespmem:v5+s12+$0x0], $0xffff  }
0x115: {  	v6 =	vld.idx.msk [tilespmem:v6+s12+$0x0], $0xffff  }
0x116: {  	v7 =	vld.idx.msk [tilespmem:v7+s12+$0x0], $0xffff  }
0x117: {  	v8 =	vld.idx.msk [tilespmem:v8+s12+$0x0], $0xffff  }
0x118: {  	v1 =	vld.idx.msk [tilespmem:v1+s12+$0x0], $0xffff;
	[tilespmem:s30+$0x110] =	vst v2  }
0x119: {  	[tilespmem:s30+$0x120] =	vst v3  }
0x11a: {  	[tilespmem:s30+$0x130] =	vst v4  }
0x11b: {  	[tilespmem:s30+$0x140] =	vst v5;
	v2 =	vadd.s32 v19, v0  }
0x11c: {  	[tilespmem:s30+$0x150] =	vst v6;
	v3 =	vadd.s32 v20, v0  }
0x11d: {  	[tilespmem:s30+$0x160] =	vst v7;
	v4 =	vadd.s32 v21, v0  }
0x11e: {  	[tilespmem:s30+$0x170] =	vst v8;
	v5 =	vadd.s32 v22, v0  }
0x11f: {  	v6 =	vadd.s32 v23, v0;
	[tilespmem:s30+$0x100] =	vst v1  }
0x120: {  	v7 =	vadd.s32 v24, v0;
	v2 =	vld.idx.msk [tilespmem:v2+s12+$0x0], $0xffff  }
0x121: {  	v1 =	vadd.s32 v18, v0;
	v3 =	vld.idx.msk [tilespmem:v3+s12+$0x0], $0xffff  }
0x122: {  	v0 =	vadd.s32 v25, v0;
	v4 =	vld.idx.msk [tilespmem:v4+s12+$0x0], $0xffff  }
0x123: {  	v5 =	vld.idx.msk [tilespmem:v5+s12+$0x0], $0xffff  }
0x124: {  	v6 =	vld.idx.msk [tilespmem:v6+s12+$0x0], $0xffff  }
0x125: {  	v7 =	vld.idx.msk [tilespmem:v7+s12+$0x0], $0xffff  }
0x126: {  	v1 =	vld.idx.msk [tilespmem:v1+s12+$0x0], $0xffff  }
0x127: {  	v0 =	vld.idx.msk [tilespmem:v0+s12+$0x0], $0xffff;
	[tilespmem:s30+$0x190] =	vst v2  }
0x128: {  	[tilespmem:s30+$0x1A0] =	vst v3  }
0x129: {  	p0 =	sne.s32 s29, $0xC0;
	[tilespmem:s30+$0x1B0] =	vst v4  }
.Ltmp0:
0x12a: {  	[tilespmem:s30+$0x1C0] =	vst v5;
	(pc) =	sbr.rel @p0 .LBB2_3-.Ltmp0, $4  }
0x12b: {  	[tilespmem:s30+$0x1D0] =	vst v6  }
0x12c: {  	[tilespmem:s30+$0x1E0] =	vst v7  }
0x12d: {  	v8 =	vmov v16;
	v2 =	vmov v10;
	v3 =	vmov v11;
	[tilespmem:s30+$0x180] =	vst v1  }
0x12e: {  	s29 =	sadd.s32 $0x8, s29;
	v4 =	vmovc v12;
	v5 =	vmovc v13;
	v6 =	vmov v14;
	v7 =	vmov v15;
	v1 =	vmov v9;
	[tilespmem:s30+$0x1F0] =	vst v0;
	s30 =	sadd.s32 $0x400, s30  }
0x12f: {  	s29 =	smulhi.u32 $0x66666667, s28;
	_ =	sdelay $0x1  }
0x130: {  	s29 =	sshrl.u32 s29, $0x1  }
0x131: {  	s30 =	smul.u32 $0x5, s29;
	_ =	sdelay $0x1  }
0x132: {  	s29 =	smul.u32 $0x3E8000, s29;
	s30 =	ssub.s32 s28, s30  }
0x133: {  	s30 =	smul.u32 $0xC8000, s30;
	_ =	sdelay $0x1  }
0x134: {  	s29 =	sadd.s32 s30, s29  }
0x135: {  	p0 =	seq.s32 s24, $0x7C;
	s29 =	sor.u32 s6, s29  }
0x136: {  	s28 =	sadd.s32 @!p0 $0x2, s28;
	s29 =	sshrl.u32 s29, $0x3  }
0x137: {  	s30 =	smulhi.u32 @!p0 $0x66666667, s28;
	s29 =	sadd.s32 s1, s29  }
0x138: {  	[hbm4b:s29+s16] =	stream.strided.scatter [tilespmem:s18], [sflag:$0x3], $0x6400, s17, s16, $0x38;
	[tilespmem:$0x1AA00] =	vst v63  }
0x139: {  	s29 =	sshll.u32 @!p0 s30, $0x6  }
0x13a: {  	s29 =	sand.u32 @!p0 $0x3FFFFF80, s29  }
0x13b: {  	v0 =	vld @!p0 [tilespmem:s29+$0x0];
	_ =	sdelay $0x2  }
0x13c: {  	s30 =	sshrl.u32 @!p0 s30, $0x1  }
0x13d: {  	s30 =	smul.u32 @!p0 $0x5, s30  }
0x13e: {  	v0 =	vmul.u32 @!p0 $0x5, v0  }
0x13f: {  	s28 =	ssub.s32 @!p0 s28, s30  }
0x140: {  	v0 =	vadd.s32 @!p0 s28, v0  }
0x141: {  	[tilespmem:$0x1900] =	vst @!p0 v0  }
0x142: {  	v0 =	vld @!p0 [tilespmem:s29+$0x10];
	_ =	sdelay $0x4  }
0x143: {  	v0 =	vmul.u32 @!p0 $0x5, v0;
	_ =	sdelay $0x1  }
0x144: {  	v0 =	vadd.s32 @!p0 s28, v0  }
0x145: {  	[tilespmem:$0x1910] =	vst @!p0 v0  }
0x146: {  	v0 =	vld @!p0 [tilespmem:s29+$0x20];
	_ =	sdelay $0x4  }
0x147: {  	v0 =	vmul.u32 @!p0 $0x5, v0;
	_ =	sdelay $0x1  }
0x148: {  	v0 =	vadd.s32 @!p0 s28, v0  }
0x149: {  	[tilespmem:$0x1920] =	vst @!p0 v0  }
0x14a: {  	v0 =	vld @!p0 [tilespmem:s29+$0x30];
	_ =	sdelay $0x4  }
0x14b: {  	v0 =	vmul.u32 @!p0 $0x5, v0;
	_ =	sdelay $0x1  }
0x14c: {  	v0 =	vadd.s32 @!p0 s28, v0  }
0x14d: {  	[tilespmem:$0x1930] =	vst @!p0 v0  }
0x14e: {  	v0 =	vld @!p0 [tilespmem:s29+$0x40];
	_ =	sdelay $0x4  }
0x14f: {  	v0 =	vmul.u32 @!p0 $0x5, v0;
	_ =	sdelay $0x1  }
0x150: {  	v0 =	vadd.s32 @!p0 s28, v0  }
0x151: {  	[tilespmem:$0x1940] =	vst @!p0 v0  }
0x152: {  	v0 =	vld @!p0 [tilespmem:s29+$0x50];
	_ =	sdelay $0x4  }
0x153: {  	v0 =	vmul.u32 @!p0 $0x5, v0;
	_ =	sdelay $0x1  }
0x154: {  	v0 =	vadd.s32 @!p0 s28, v0  }
0x155: {  	[tilespmem:$0x1950] =	vst @!p0 v0  }
0x156: {  	v0 =	vld @!p0 [tilespmem:s29+$0x60];
	_ =	sdelay $0x4  }
0x157: {  	v0 =	vmul.u32 @!p0 $0x5, v0;
	_ =	sdelay $0x1  }
0x158: {  	v0 =	vadd.s32 @!p0 s28, v0  }
0x159: {  	[tilespmem:$0x1960] =	vst @!p0 v0  }
0x15a: {  	v0 =	vld @!p0 [tilespmem:s29+$0x70];
	_ =	sdelay $0x4  }
0x15b: {  	v0 =	vmul.u32 @!p0 $0x5, v0;
	_ =	sdelay $0x1  }
0x15c: {  	p1 =	seq.s32 @!p0 s24, $0x0;
	v0 =	vadd.s32 @!p0 s28, v0  }
0x15d: {  	s30 =	simm.s32 @!p0 $0x1A00;
	s29 =	simm.s32 @!p0 $0x1900;
	s28 =	simm.s32 @!p0 $0x80;
	[tilespmem:$0x1970] =	vst @!p0 v0  }
0x15e: {  	[tilespmem:s30], [sflag:$0x1] =	stream.indirect.gather @!p0 [hbm4b:s4+s28], $0xC8, s29, s28, $0xb8;
	[tilespmem:$0x1AA00] =	vst v63  }
0x15f: {  	p0 =	por p0, !p1  }
0x160: {  	_ =	swait.ge @p0 [sflag:s22], $0x6400  }
0x161: {  	[sflag:s22] =	ssyncset.done @p0 $0x0  }
0x162: {  	[sflag:s22] =	ssyncadd.s32 @p0 $0xFFFF9C00  }
0x163: {  	_ =	swait.ge [sflag:s19], $0x6400  }
0x164: {  	v26 =	vld [tilespmem:$0x1FD10]  }
0x165: {  	v27 =	vld [tilespmem:$0x1FD20]  }
0x166: {  	v28 =	vld [tilespmem:$0x1FD30]  }
0x167: {  	v29 =	vld [tilespmem:$0x1FD40]  }
0x168: {  	v30 =	vld [tilespmem:$0x1FD50]  }
0x169: {  	v31 =	vld [tilespmem:$0x1FD60]  }
0x16a: {  	v32 =	vld [tilespmem:$0x1FD70]  }
0x16b: {  	v33 =	vld [tilespmem:$0x1FD80]  }
0x16c: {  	v34 =	vld [tilespmem:$0x1FD90]  }
0x16d: {  	v35 =	vld [tilespmem:$0x1FDA0]  }
0x16e: {  	v36 =	vld [tilespmem:$0x1FDB0]  }
0x16f: {  	v37 =	vld [tilespmem:$0x1FDC0]  }
0x170: {  	v38 =	vld [tilespmem:$0x1FDD0]  }
0x171: {  	v39 =	vld [tilespmem:$0x1FDE0]  }
0x172: {  	v40 =	vld [tilespmem:$0x1FDF0]  }
0x173: {  	v41 =	vld [tilespmem:$0x1FE00]  }
0x174: {  	v42 =	vld [tilespmem:$0x1FE10]  }
0x175: {  	v43 =	vld [tilespmem:$0x1FE20]  }
0x176: {  	v44 =	vld [tilespmem:$0x1FE30]  }
0x177: {  	v45 =	vld [tilespmem:$0x1FE40]  }
0x178: {  	v46 =	vld [tilespmem:$0x1FE50]  }
0x179: {  	v47 =	vld [tilespmem:$0x1FE60]  }
0x17a: {  	v48 =	vld [tilespmem:$0x1FE70]  }
0x17b: {  	v49 =	vld [tilespmem:$0x1FE80]  }
0x17c: {  	v50 =	vld [tilespmem:$0x1FE90]  }
0x17d: {  	v51 =	vld [tilespmem:$0x1FEA0]  }
0x17e: {  	v52 =	vld [tilespmem:$0x1FEB0]  }
0x17f: {  	v53 =	vld [tilespmem:$0x1FEC0]  }
0x180: {  	v54 =	vld [tilespmem:$0x1FED0]  }
0x181: {  	v55 =	vld [tilespmem:$0x1FEE0]  }
0x182: {  	v56 =	vld [tilespmem:$0x1FEF0]  }
0x183: {  	v57 =	vld [tilespmem:$0x1FF00]  }
0x184: {  	v58 =	vld [tilespmem:$0x1FF10]  }
0x185: {  	v59 =	vld [tilespmem:$0x1FF20]  }
0x186: {  	v60 =	vld [tilespmem:$0x1FF30]  }
0x187: {  	v61 =	vld [tilespmem:$0x1FF40]  }
0x188: {  	v62 =	vld [tilespmem:$0x1FF50]  }
0x189: {  	v63 =	vld [tilespmem:$0x1FF60]  }
0x18a: {  	v17 =	vld [tilespmem:$0x1FF70]  }
0x18b: {  	v18 =	vld [tilespmem:$0x1FF80]  }
0x18c: {  	v19 =	vld [tilespmem:$0x1FF90]  }
0x18d: {  	v20 =	vld [tilespmem:$0x1FFA0]  }
0x18e: {  	v21 =	vld [tilespmem:$0x1FFB0]  }
0x18f: {  	v22 =	vld [tilespmem:$0x1FFC0]  }
0x190: {  	v23 =	vld [tilespmem:$0x1FFD0]  }
0x191: {  	[sflag:s19] =	ssyncset.done $0x0;
	v24 =	vld [tilespmem:$0x1FFE0]  }
0x192: {  	s28 =	simm.s32 $0x0;
	s29 =	simm.s32 $0x14800;
	v25 =	vld [tilespmem:$0x1FFF0];
	[sflag:s19] =	ssyncadd.s32 $0xFFFF9C00  }
.LBB2_5:
0x193: {  	v0 =	vmov s28  }
0x194: {  	v0 =	vshrl.u32 v0, $0x3  }
0x195: {  	v0 =	vshll.u32 v0, $0x3  }
0x196: {  	v0 =	vbroadcast v0, $0x0;
	_ =	sdelay $0x1  }
0x197: {  	v1 =	vadd.s32 v9, v0  }
0x198: {  	v2 =	vadd.s32 v10, v0  }
0x199: {  	v3 =	vadd.s32 v11, v0  }
0x19a: {  	v4 =	vadd.s32 v12, v0  }
0x19b: {  	v5 =	vadd.s32 v13, v0  }
0x19c: {  	v6 =	vadd.s32 v14, v0;
	v1 =	vld.idx.msk [tilespmem:v1+s14+$0x0], $0xffff  }
0x19d: {  	v7 =	vadd.s32 v15, v0;
	v2 =	vld.idx.msk [tilespmem:v2+s14+$0x0], $0xffff  }
0x19e: {  	v8 =	vadd.s32 v16, v0;
	v3 =	vld.idx.msk [tilespmem:v3+s14+$0x0], $0xffff  }
0x19f: {  	v4 =	vld.idx.msk [tilespmem:v4+s14+$0x0], $0xffff  }
0x1a0: {  	v5 =	vld.idx.msk [tilespmem:v5+s14+$0x0], $0xffff  }
0x1a1: {  	v6 =	vld.idx.msk [tilespmem:v6+s14+$0x0], $0xffff  }
0x1a2: {  	v7 =	vld.idx.msk [tilespmem:v7+s14+$0x0], $0xffff  }
0x1a3: {  	v8 =	vld.idx.msk [tilespmem:v8+s14+$0x0], $0xffff  }
0x1a4: {  	[tilespmem:s29+$0xFFFFFE30] =	vst v4;
	v4 =	vld [tilespmem:$0x1FC80]  }
0x1a5: {  	[tilespmem:s29+$0xFFFFFE40] =	vst v5;
	v5 =	vld [tilespmem:$0x1FC90]  }
0x1a6: {  	[tilespmem:s29+$0xFFFFFE50] =	vst v6;
	v6 =	vld [tilespmem:$0x1FCA0]  }
0x1a7: {  	[tilespmem:s29+$0xFFFFFE60] =	vst v7;
	v7 =	vld [tilespmem:$0x1FCE0]  }
0x1a8: {  	[tilespmem:s29+$0xFFFFFE70] =	vst v8;
	v8 =	vld [tilespmem:$0x1FCF0]  }
0x1a9: {  	[tilespmem:s29+$0xFFFFFE00] =	vst v1;
	v1 =	vadd.s32 v4, v0;
	v4 =	vld [tilespmem:$0x1FCB0]  }
0x1aa: {  	[tilespmem:s29+$0xFFFFFE10] =	vst v2;
	v2 =	vadd.s32 v5, v0;
	v5 =	vld [tilespmem:$0x1FCC0]  }
0x1ab: {  	[tilespmem:s29+$0xFFFFFE20] =	vst v3;
	v3 =	vadd.s32 v6, v0;
	v6 =	vld [tilespmem:$0x1FCD0]  }
0x1ac: {  	v7 =	vadd.s32 v7, v0  }
0x1ad: {  	v8 =	vadd.s32 v8, v0  }
0x1ae: {  	v4 =	vadd.s32 v4, v0;
	v1 =	vld.idx.msk [tilespmem:v1+s14+$0x0], $0xffff  }
0x1af: {  	v5 =	vadd.s32 v5, v0;
	v2 =	vld.idx.msk [tilespmem:v2+s14+$0x0], $0xffff  }
0x1b0: {  	v6 =	vadd.s32 v6, v0;
	v3 =	vld.idx.msk [tilespmem:v3+s14+$0x0], $0xffff  }
0x1b1: {  	v7 =	vld.idx.msk [tilespmem:v7+s14+$0x0], $0xffff  }
0x1b2: {  	v8 =	vld.idx.msk [tilespmem:v8+s14+$0x0], $0xffff  }
0x1b3: {  	v4 =	vld.idx.msk [tilespmem:v4+s14+$0x0], $0xffff  }
0x1b4: {  	v5 =	vld.idx.msk [tilespmem:v5+s14+$0x0], $0xffff  }
0x1b5: {  	v6 =	vld.idx.msk [tilespmem:v6+s14+$0x0], $0xffff;
	[tilespmem:s29+$0xFFFFFE80] =	vst v1  }
0x1b6: {  	[tilespmem:s29+$0xFFFFFE90] =	vst v2  }
0x1b7: {  	[tilespmem:s29+$0xFFFFFEA0] =	vst v3  }
0x1b8: {  	v2 =	vadd.s32 v26, v0;
	[tilespmem:s29+$0xFFFFFEE0] =	vst v7  }
0x1b9: {  	v3 =	vadd.s32 v27, v0;
	[tilespmem:s29+$0xFFFFFEB0] =	vst v4;
	v4 =	vld [tilespmem:$0x1FD00]  }
0x1ba: {  	[tilespmem:s29+$0xFFFFFEF0] =	vst v8;
	v7 =	vadd.s32 v31, v0  }
0x1bb: {  	v8 =	vadd.s32 v32, v0;
	[tilespmem:s29+$0xFFFFFEC0] =	vst v5  }
0x1bc: {  	[tilespmem:s29+$0xFFFFFED0] =	vst v6;
	v5 =	vadd.s32 v29, v0  }
0x1bd: {  	v6 =	vadd.s32 v30, v0;
	v2 =	vld.idx.msk [tilespmem:v2+s14+$0x0], $0xffff  }
0x1be: {  	v3 =	vld.idx.msk [tilespmem:v3+s14+$0x0], $0xffff;
	v1 =	vadd.s32 v4, v0  }
0x1bf: {  	v7 =	vld.idx.msk [tilespmem:v7+s14+$0x0], $0xffff;
	v4 =	vadd.s32 v28, v0  }
0x1c0: {  	v8 =	vld.idx.msk [tilespmem:v8+s14+$0x0], $0xffff  }
0x1c1: {  	v5 =	vld.idx.msk [tilespmem:v5+s14+$0x0], $0xffff  }
0x1c2: {  	v6 =	vld.idx.msk [tilespmem:v6+s14+$0x0], $0xffff  }
0x1c3: {  	v1 =	vld.idx.msk [tilespmem:v1+s14+$0x0], $0xffff  }
0x1c4: {  	v4 =	vld.idx.msk [tilespmem:v4+s14+$0x0], $0xffff;
	[tilespmem:s29+$0xFFFFFF10] =	vst v2  }
0x1c5: {  	[tilespmem:s29+$0xFFFFFF20] =	vst v3  }
0x1c6: {  	[tilespmem:s29+$0xFFFFFF40] =	vst v5  }
0x1c7: {  	v2 =	vadd.s32 v34, v0;
	[tilespmem:s29+$0xFFFFFF50] =	vst v6  }
0x1c8: {  	v3 =	vadd.s32 v35, v0;
	[tilespmem:s29+$0xFFFFFF60] =	vst v7  }
0x1c9: {  	[tilespmem:s29+$0xFFFFFF70] =	vst v8;
	v5 =	vadd.s32 v37, v0  }
0x1ca: {  	v6 =	vadd.s32 v38, v0;
	[tilespmem:s29+$0xFFFFFF00] =	vst v1  }
0x1cb: {  	v7 =	vadd.s32 v39, v0;
	[tilespmem:s29+$0xFFFFFF30] =	vst v4  }
0x1cc: {  	v8 =	vadd.s32 v40, v0;
	v2 =	vld.idx.msk [tilespmem:v2+s14+$0x0], $0xffff  }
0x1cd: {  	v1 =	vadd.s32 v33, v0;
	v3 =	vld.idx.msk [tilespmem:v3+s14+$0x0], $0xffff  }
0x1ce: {  	v4 =	vadd.s32 v36, v0;
	v5 =	vld.idx.msk [tilespmem:v5+s14+$0x0], $0xffff  }
0x1cf: {  	v6 =	vld.idx.msk [tilespmem:v6+s14+$0x0], $0xffff  }
0x1d0: {  	v7 =	vld.idx.msk [tilespmem:v7+s14+$0x0], $0xffff  }
0x1d1: {  	v8 =	vld.idx.msk [tilespmem:v8+s14+$0x0], $0xffff  }
0x1d2: {  	v1 =	vld.idx.msk [tilespmem:v1+s14+$0x0], $0xffff  }
0x1d3: {  	v4 =	vld.idx.msk [tilespmem:v4+s14+$0x0], $0xffff;
	[tilespmem:s29+$0xFFFFFF90] =	vst v2  }
0x1d4: {  	[tilespmem:s29+$0xFFFFFFA0] =	vst v3  }
0x1d5: {  	[tilespmem:s29+$0xFFFFFFC0] =	vst v5  }
0x1d6: {  	v2 =	vadd.s32 v42, v0;
	[tilespmem:s29+$0xFFFFFFD0] =	vst v6  }
0x1d7: {  	v3 =	vadd.s32 v43, v0;
	[tilespmem:s29+$0xFFFFFFE0] =	vst v7  }
0x1d8: {  	[tilespmem:s29+$0xFFFFFFF0] =	vst v8;
	v5 =	vadd.s32 v45, v0  }
0x1d9: {  	v6 =	vadd.s32 v46, v0;
	[tilespmem:s29+$0xFFFFFF80] =	vst v1  }
0x1da: {  	v7 =	vadd.s32 v47, v0;
	[tilespmem:s29+$0xFFFFFFB0] =	vst v4  }
0x1db: {  	v8 =	vadd.s32 v48, v0;
	v2 =	vld.idx.msk [tilespmem:v2+s14+$0x0], $0xffff  }
0x1dc: {  	v1 =	vadd.s32 v41, v0;
	v3 =	vld.idx.msk [tilespmem:v3+s14+$0x0], $0xffff  }
0x1dd: {  	v4 =	vadd.s32 v44, v0;
	v5 =	vld.idx.msk [tilespmem:v5+s14+$0x0], $0xffff  }
0x1de: {  	v6 =	vld.idx.msk [tilespmem:v6+s14+$0x0], $0xffff  }
0x1df: {  	v7 =	vld.idx.msk [tilespmem:v7+s14+$0x0], $0xffff  }
0x1e0: {  	v8 =	vld.idx.msk [tilespmem:v8+s14+$0x0], $0xffff  }
0x1e1: {  	v1 =	vld.idx.msk [tilespmem:v1+s14+$0x0], $0xffff  }
0x1e2: {  	v4 =	vld.idx.msk [tilespmem:v4+s14+$0x0], $0xffff;
	[tilespmem:s29+$0x10] =	vst v2  }
0x1e3: {  	[tilespmem:s29+$0x20] =	vst v3  }
0x1e4: {  	[tilespmem:s29+$0x40] =	vst v5  }
0x1e5: {  	v2 =	vadd.s32 v50, v0;
	[tilespmem:s29+$0x50] =	vst v6  }
0x1e6: {  	v3 =	vadd.s32 v51, v0;
	[tilespmem:s29+$0x60] =	vst v7  }
0x1e7: {  	[tilespmem:s29+$0x70] =	vst v8;
	v5 =	vadd.s32 v53, v0  }
0x1e8: {  	v6 =	vadd.s32 v54, v0;
	[tilespmem:s29+$0x0] =	vst v1  }
0x1e9: {  	v7 =	vadd.s32 v55, v0;
	[tilespmem:s29+$0x30] =	vst v4  }
0x1ea: {  	v8 =	vadd.s32 v56, v0;
	v2 =	vld.idx.msk [tilespmem:v2+s14+$0x0], $0xffff  }
0x1eb: {  	v1 =	vadd.s32 v49, v0;
	v3 =	vld.idx.msk [tilespmem:v3+s14+$0x0], $0xffff  }
0x1ec: {  	v4 =	vadd.s32 v52, v0;
	v5 =	vld.idx.msk [tilespmem:v5+s14+$0x0], $0xffff  }
0x1ed: {  	v6 =	vld.idx.msk [tilespmem:v6+s14+$0x0], $0xffff  }
0x1ee: {  	v7 =	vld.idx.msk [tilespmem:v7+s14+$0x0], $0xffff  }
0x1ef: {  	v8 =	vld.idx.msk [tilespmem:v8+s14+$0x0], $0xffff  }
0x1f0: {  	v1 =	vld.idx.msk [tilespmem:v1+s14+$0x0], $0xffff  }
0x1f1: {  	v4 =	vld.idx.msk [tilespmem:v4+s14+$0x0], $0xffff;
	[tilespmem:s29+$0x90] =	vst v2  }
0x1f2: {  	[tilespmem:s29+$0xA0] =	vst v3  }
0x1f3: {  	[tilespmem:s29+$0xC0] =	vst v5  }
0x1f4: {  	v2 =	vadd.s32 v58, v0;
	[tilespmem:s29+$0xD0] =	vst v6  }
0x1f5: {  	v3 =	vadd.s32 v59, v0;
	[tilespmem:s29+$0xE0] =	vst v7  }
0x1f6: {  	[tilespmem:s29+$0xF0] =	vst v8;
	v5 =	vadd.s32 v61, v0  }
0x1f7: {  	v6 =	vadd.s32 v62, v0;
	[tilespmem:s29+$0x80] =	vst v1  }
0x1f8: {  	v7 =	vadd.s32 v63, v0;
	[tilespmem:s29+$0xB0] =	vst v4  }
0x1f9: {  	v8 =	vadd.s32 v17, v0;
	v2 =	vld.idx.msk [tilespmem:v2+s14+$0x0], $0xffff  }
0x1fa: {  	v1 =	vadd.s32 v57, v0;
	v3 =	vld.idx.msk [tilespmem:v3+s14+$0x0], $0xffff  }
0x1fb: {  	v4 =	vadd.s32 v60, v0;
	v5 =	vld.idx.msk [tilespmem:v5+s14+$0x0], $0xffff  }
0x1fc: {  	v6 =	vld.idx.msk [tilespmem:v6+s14+$0x0], $0xffff  }
0x1fd: {  	v7 =	vld.idx.msk [tilespmem:v7+s14+$0x0], $0xffff  }
0x1fe: {  	v8 =	vld.idx.msk [tilespmem:v8+s14+$0x0], $0xffff  }
0x1ff: {  	v1 =	vld.idx.msk [tilespmem:v1+s14+$0x0], $0xffff  }
0x200: {  	v4 =	vld.idx.msk [tilespmem:v4+s14+$0x0], $0xffff;
	[tilespmem:s29+$0x110] =	vst v2  }
0x201: {  	[tilespmem:s29+$0x120] =	vst v3  }
0x202: {  	[tilespmem:s29+$0x140] =	vst v5  }
0x203: {  	v2 =	vadd.s32 v19, v0;
	[tilespmem:s29+$0x150] =	vst v6  }
0x204: {  	v3 =	vadd.s32 v20, v0;
	[tilespmem:s29+$0x160] =	vst v7  }
0x205: {  	[tilespmem:s29+$0x170] =	vst v8;
	v5 =	vadd.s32 v22, v0  }
0x206: {  	v6 =	vadd.s32 v23, v0;
	[tilespmem:s29+$0x100] =	vst v1  }
0x207: {  	v7 =	vadd.s32 v24, v0;
	[tilespmem:s29+$0x130] =	vst v4  }
0x208: {  	v1 =	vadd.s32 v18, v0;
	v2 =	vld.idx.msk [tilespmem:v2+s14+$0x0], $0xffff  }
0x209: {  	v4 =	vadd.s32 v21, v0;
	v3 =	vld.idx.msk [tilespmem:v3+s14+$0x0], $0xffff  }
0x20a: {  	v0 =	vadd.s32 v25, v0;
	v5 =	vld.idx.msk [tilespmem:v5+s14+$0x0], $0xffff  }
0x20b: {  	v6 =	vld.idx.msk [tilespmem:v6+s14+$0x0], $0xffff  }
0x20c: {  	v7 =	vld.idx.msk [tilespmem:v7+s14+$0x0], $0xffff  }
0x20d: {  	v1 =	vld.idx.msk [tilespmem:v1+s14+$0x0], $0xffff  }
0x20e: {  	v4 =	vld.idx.msk [tilespmem:v4+s14+$0x0], $0xffff  }
0x20f: {  	v0 =	vld.idx.msk [tilespmem:v0+s14+$0x0], $0xffff;
	[tilespmem:s29+$0x190] =	vst v2  }
0x210: {  	[tilespmem:s29+$0x1A0] =	vst v3  }
0x211: {  	p0 =	sne.s32 s28, $0xC0;
	[tilespmem:s29+$0x1C0] =	vst v5  }
.Ltmp1:
0x212: {  	[tilespmem:s29+$0x1D0] =	vst v6;
	(pc) =	sbr.rel @p0 .LBB2_5-.Ltmp1, $4  }
0x213: {  	[tilespmem:s29+$0x1E0] =	vst v7  }
0x214: {  	[tilespmem:s29+$0x180] =	vst v1  }
0x215: {  	[tilespmem:s29+$0x1B0] =	vst v4  }
0x216: {  	s28 =	sadd.s32 $0x8, s28;
	[tilespmem:s29+$0x1F0] =	vst v0;
	s29 =	sadd.s32 $0x400, s29  }
0x217: {  	s25 =	smul.u32 $0x3E8000, s25  }
0x218: {  	s26 =	smul.u32 $0xC8000, s26;
	s24 =	sadd.s32 $0x1, s24  }
0x219: {  	p0 =	sne.s32 s24, $0x7D  }
.Ltmp2:
0x21a: {  	s25 =	sadd.s32 s26, s25;
	(pc) =	sbr.rel @p0 .LBB2_2-.Ltmp2, $4  }
0x21b: {  	s25 =	sor.u32 s6, s25  }
0x21c: {  	s25 =	sshrl.u32 s25, $0x3  }
0x21d: {  	v8 =	vmov v16;
	v1 =	vmov v9;
	v2 =	vmov v10;
	s25 =	sadd.s32 s1, s25  }
0x21e: {  	v3 =	vmovc v11;
	v4 =	vmovc v12;
	v5 =	vmov v13;
	v6 =	vmov v14;
	v7 =	vmov v15;
	[hbm4b:s25+s16] =	stream.strided.scatter [tilespmem:s20], [sflag:$0x4], $0x6400, s17, s16, $0x38;
	[tilespmem:$0x1AA00] =	vst v63  }
0x21f: {  	s23 =	sadd.s32 $0x1, s23  }
0x220: {  	_ =	swait.ge [sflag:s21], $0x6400;
	p0 =	sne.s32 s23, s7  }
.Ltmp3:
0x221: {  	[sflag:s21] =	ssyncset.done $0x0;
	(pc) =	sbr.rel @p0 .LBB2_1-.Ltmp3, $4  }
0x222: {  	[sflag:s21] =	ssyncadd.s32 $0xFFFF9C00  }
0x223: {  	_ =	swait.ge [sflag:s22], $0x6400  }
0x224: {  	[sflag:s22] =	ssyncset.done $0x0  }
0x225: {  	[sflag:s22] =	ssyncadd.s32 $0xFFFF9C00  }
0x226: {  	_ =	sfence.sel $0x180000  }
0x227: {  	[bflag:$0x0] =	sbarrier.arrive $0xFFFF  }
0x228: {  	p0 =	sne.s32 s2, $0x0;
	_ =	strace $0x90000047  }
0x229: {  	s0 =	sadd.s32 @!p0 $0x100000, s0;
	[bflag:$0x2] =	sbarrier.arrive $0xFFFF  }
0x22a: {  	[sflag:s0] =	ssyncadd.tile.s32 @!p0 $0x1;
	_ =	shalt  }
.Lfunc_end2:
_tile_overlayer_lowered:
.L_overlay_start_2:
0x22b: {  	(tag) =	ssettag $0x2  }
0x22c: {  	s0 =	rddreg [dreg:$0x0];
	s2 =	stileid.u32  }
0x22d: {  	s1 =	rddreg [dreg:$0x1];
	p0 =	sne.s32 s2, $0x0  }
0x22e: {  	s3 =	rddreg [dreg:$0x2];
	[bflag:$0x3] =	sbarrier.arrive $0xFFFF;
	s2 =	simm.s32 @!p0 $0x1C05  }
0x22f: {  	[timem:s3], [sflag:s2] =	dma.local @!p0 [hbm:s0], s1  }
0x230: {  	s0 =	simm.s32 @!p0 $0x5  }
0x231: {  	_ =	swait.ge @!p0 [sflag:s0], s1  }
0x232: {  	s1 =	ssub.s32 @!p0 $0x0, s1;
	[sflag:s0] =	ssyncset.done @!p0 $0x0  }
0x233: {  	[sflag:s0] =	ssyncadd.s32 @!p0 s1  }
0x234: {  	[bflag:$0x3] =	sbarrier.arrive $0xFFFF  }
0x235: {  	_ =	shalt  }

</sc_bundles>
